<compile_context>
chip_gen: v7x
topology: tpu7x:2x2x1
jax: 0.10.2.dev20260603
libtpu: 0.0.44.dev20260713+nightly
codegen_flags: <defaults>
</compile_context>

<pallas_src>
import functools

import jax
import jax.numpy as jnp
from jax import lax
from jax.experimental import pallas as pl
from jax.experimental.pallas import tpu as pltpu
from jax.experimental.pallas import tpu_sc as plsc

N = 10000
E = 320000
D = 128
H = 16
C = 16
G = 64

NC = 2
NS = 16
NW = NC * NS
CHUNK = 128
ECHUNKS = E // CHUNK
FULL = -(-ECHUNKS // NW)
LAST = ECHUNKS - FULL * (NW - 1)
NBUF = 6
AHEAD = NBUF - 2
N_PAD = 10112
ROWS_PER_TILE = N_PAD // NS
ROW_BLK = 5000
N_BLKS = N // ROW_BLK


def _k1_body(x_ref, w_ref, y_ref):
    y_ref[...] = jnp.dot(x_ref[...], w_ref[...],
                         preferred_element_type=jnp.float32)


def _project(x, W1):
    return pl.pallas_call(
        _k1_body,
        grid=(N_BLKS,),
        in_specs=[
            pl.BlockSpec((ROW_BLK, D), lambda i: (i, 0)),
            pl.BlockSpec((D, H), lambda i: (0, 0)),
        ],
        out_specs=pl.BlockSpec((ROW_BLK, H), lambda i: (i, 0)),
        out_shape=jax.ShapeDtypeStruct((N, H), jnp.float32),
    )(x, W1)


def _sc_edge_segment_sum(table, edges, zeros_init):
    mesh = plsc.VectorSubcoreMesh(core_axis_name="c", subcore_axis_name="s")

    @functools.partial(
        pl.kernel,
        out_type=jax.ShapeDtypeStruct((NC, N_PAD, H), jnp.float32),
        mesh=mesh,
        compiler_params=pltpu.CompilerParams(use_tc_tiling_on_sc=False),
        scratch_types=[
            pltpu.VMEM((FULL * CHUNK,), jnp.int32),
            pltpu.VMEM((FULL * CHUNK,), jnp.int32),
            pltpu.VMEM((NBUF, CHUNK, H), jnp.float32),
            pltpu.VMEM_SHARED((N_PAD, H), jnp.float32),
            pltpu.SemaphoreType.DMA,
            pltpu.SemaphoreType.DMA,
        ],
    )
    def k(table_hbm, edge_hbm, zeros_hbm, out_hbm,
          src_v, dst_v, rows_v, acc_sh, gsem, ssem):
        c = lax.axis_index("c")
        s = lax.axis_index("s")
        w = c * NS + s
        nchunks = jnp.where(w == NW - 1, LAST, FULL)
        ebase = w * (FULL * CHUNK)

        @pl.when(w < NW - 1)
        def _():
            pltpu.sync_copy(edge_hbm.at[pl.ds(ebase, FULL * CHUNK)], src_v)
            pltpu.sync_copy(edge_hbm.at[pl.ds(E + ebase, FULL * CHUNK)],
                            dst_v)

        @pl.when(w == NW - 1)
        def _():
            pltpu.sync_copy(edge_hbm.at[pl.ds(ebase, LAST * CHUNK)],
                            src_v.at[pl.ds(0, LAST * CHUNK)])
            pltpu.sync_copy(edge_hbm.at[pl.ds(E + ebase, LAST * CHUNK)],
                            dst_v.at[pl.ds(0, LAST * CHUNK)])

        @pl.when(s == 0)
        def _():
            pltpu.sync_copy(zeros_hbm, acc_sh)

        plsc.subcore_barrier()

        def gather_start(j):
            pltpu.async_copy(table_hbm.at[src_v.at[pl.ds(j * CHUNK, CHUNK)]],
                             rows_v.at[j % NBUF], gsem)

        def scatter_drain():
            pltpu.make_async_copy(rows_v.at[0], acc_sh.at[dst_v.at[pl.ds(0, CHUNK)]],
                                  ssem).wait()

        for j in range(AHEAD):
            gather_start(j)

        def body(j, carry):
            b = j % NBUF
            pltpu.make_async_copy(table_hbm.at[src_v.at[pl.ds(j * CHUNK, CHUNK)]],
                                  rows_v.at[b], gsem).wait()
            pltpu.async_copy(rows_v.at[b], acc_sh.at[dst_v.at[pl.ds(j * CHUNK, CHUNK)]],
                             ssem, add=True)
            @pl.when(j >= 2)
            def _():
                scatter_drain()

            @pl.when(j + AHEAD < nchunks)
            def _():
                gather_start(j + AHEAD)
            return carry

        lax.fori_loop(0, nchunks, body, 0)
        scatter_drain()
        scatter_drain()

        plsc.subcore_barrier()

        base = s * ROWS_PER_TILE
        pltpu.sync_copy(acc_sh.at[pl.ds(base, ROWS_PER_TILE)],
                        out_hbm.at[c].at[pl.ds(base, ROWS_PER_TILE)])

    return k(table, edges, zeros_init)


def _onehot(bt):
    gids = lax.broadcasted_iota(jnp.int32, (G, ROW_BLK), 0)
    return (bt[None, :] == gids).astype(jnp.float32)


def _k3_body(y_ref, a_ref, b1_ref, w2_ref, batch_ref, z_ref, p1_ref):
    x1 = y_ref[...] + a_ref[0] + a_ref[1] + b1_ref[...]
    h = jnp.maximum(x1, 0.0)
    z_ref[...] = jnp.dot(h, w2_ref[...], preferred_element_type=jnp.float32)
    oh = _onehot(batch_ref[0, 0, :])
    p1_blk = jnp.dot(oh, x1, preferred_element_type=jnp.float32)
    i = pl.program_id(0)

    @pl.when(i == 0)
    def _():
        p1_ref[...] = p1_blk

    @pl.when(i > 0)
    def _():
        p1_ref[...] += p1_blk


def _fuse1(y, agg, b1, W2, batch3d):
    return pl.pallas_call(
        _k3_body,
        grid=(N_BLKS,),
        in_specs=[
            pl.BlockSpec((ROW_BLK, H), lambda i: (i, 0)),
            pl.BlockSpec((NC, ROW_BLK, H), lambda i: (0, i, 0)),
            pl.BlockSpec((1, H), lambda i: (0, 0)),
            pl.BlockSpec((H, C), lambda i: (0, 0)),
            pl.BlockSpec((1, 1, ROW_BLK), lambda i: (i, 0, 0)),
        ],
        out_specs=[
            pl.BlockSpec((ROW_BLK, C), lambda i: (i, 0)),
            pl.BlockSpec((G, H), lambda i: (0, 0)),
        ],
        out_shape=[
            jax.ShapeDtypeStruct((N, C), jnp.float32),
            jax.ShapeDtypeStruct((G, H), jnp.float32),
        ],
    )(y, agg, b1, W2, batch3d)


def _k5_body(z_ref, a_ref, b2_ref, batch_ref, p1_ref, o_ref, acc_ref):
    x2 = z_ref[...] + a_ref[0] + a_ref[1] + b2_ref[...]
    oh = _onehot(batch_ref[0, 0, :])
    p2_blk = jnp.dot(oh, x2, preferred_element_type=jnp.float32)
    i = pl.program_id(0)

    @pl.when(i == 0)
    def _():
        acc_ref[...] = p2_blk

    @pl.when(i > 0)
    def _():
        acc_ref[...] += p2_blk

    @pl.when(i == pl.num_programs(0) - 1)
    def _():
        pcat = jnp.concatenate([p1_ref[...], acc_ref[...]], axis=1)
        m = jnp.max(pcat, axis=1, keepdims=True)
        lse = jnp.log(jnp.sum(jnp.exp(pcat - m), axis=1, keepdims=True)) + m
        o_ref[...] = pcat - lse


def _fuse2(z, agg, b2, batch3d, pool1):
    return pl.pallas_call(
        _k5_body,
        grid=(N_BLKS,),
        in_specs=[
            pl.BlockSpec((ROW_BLK, C), lambda i: (i, 0)),
            pl.BlockSpec((NC, ROW_BLK, C), lambda i: (0, i, 0)),
            pl.BlockSpec((1, C), lambda i: (0, 0)),
            pl.BlockSpec((1, 1, ROW_BLK), lambda i: (i, 0, 0)),
            pl.BlockSpec((G, H), lambda i: (0, 0)),
        ],
        out_specs=pl.BlockSpec((G, H + C), lambda i: (0, 0)),
        out_shape=jax.ShapeDtypeStruct((G, H + C), jnp.float32),
        scratch_shapes=[pltpu.VMEM((G, C), jnp.float32)],
    )(z, agg, b2, batch3d, pool1)


def kernel(x, edge_index, batch, W1, b1, W2, b2):
    edges_flat = edge_index.reshape(2 * E)
    zeros_init = jnp.zeros((N_PAD, H), jnp.float32)
    batch3d = batch.reshape(N_BLKS, 1, ROW_BLK)
    b1r = b1.reshape(1, H)
    b2r = b2.reshape(1, C)

    y = _project(x, W1)

    aggy = _sc_edge_segment_sum(y, edges_flat, zeros_init)
    z, pool1 = _fuse1(y, aggy, b1r, W2, batch3d)

    aggz = _sc_edge_segment_sum(z, edges_flat, zeros_init)
    out = _fuse2(z, aggz, b2r, batch3d, pool1)
    return out

# --- scband reference (transcript-rebuilt; emitter-appended) ---
"""Pipeline reference for scband-gin-37873021616190 (READ-ONLY COPY).

The authoritative reference and input builder live on the scoring server;
editing this copy changes nothing except your own understanding.
"""

import jax, jax.numpy as jnp
import numpy as np

N = 10000   # n_nodes
E = 320000  # n_edges
D = 128     # num_node_features
H = 16      # hidden (conv1 out)
C = 16      # num_classes (conv2 out)
G = 64      # number of graphs in batch


def setup_inputs(seed: int = 0) -> dict:
    key = jax.random.key(seed)
    ks = jax.random.split(key, 8)
    x = jax.random.normal(ks[0], (N, D), dtype=jnp.float32)
    edge_index = jax.random.randint(ks[1], (2, E), 0, N, dtype=jnp.int32)
    batch = jnp.sort(jax.random.randint(ks[2], (N,), 0, G, dtype=jnp.int32))
    # GINConv(nn.Linear(D, H)) and GINConv(nn.Linear(H, C)) parameters
    W1 = jax.random.normal(ks[3], (D, H), dtype=jnp.float32) * 0.05
    b1 = jnp.zeros((H,), dtype=jnp.float32)
    W2 = jax.random.normal(ks[4], (H, C), dtype=jnp.float32) * 0.05
    b2 = jnp.zeros((C,), dtype=jnp.float32)
    return {"x": x, "edge_index": edge_index, "batch": batch,
            "W1": W1, "b1": b1, "W2": W2, "b2": b2}


def reference(x, edge_index, batch, W1, b1, W2, b2):
    # GINConv with default eps=0: out = lin((1+eps)*x + sum_{j in N(i)} x_j)
    src = edge_index[0]
    dst = edge_index[1]
    eps = 0.0

    # conv1
    agg1 = jax.ops.segment_sum(jnp.take(x, src, axis=0), dst, num_segments=N)
    x1 = ((1.0 + eps) * x + agg1) @ W1 + b1

    h = jax.nn.relu(x1)
    # F.dropout(x, training=self.training): identity at inference time

    # conv2
    agg2 = jax.ops.segment_sum(jnp.take(h, src, axis=0), dst, num_segments=N)
    x2 = ((1.0 + eps) * h + agg2) @ W2 + b2

    # global_add_pool per graph
    x1_s = jax.ops.segment_sum(x1, batch, num_segments=G)
    x2_s = jax.ops.segment_sum(x2, batch, num_segments=G)

    out = jnp.concatenate([x1_s, x2_s], axis=-1)
    return jax.nn.log_softmax(out, axis=1)

if __name__ == "__main__":
    import jax
    _d = setup_inputs()
    print(jax.jit(kernel)(*tuple(_d.values())))

</pallas_src>

<mosaic_0001>
#map = affine_map<(d0, d1) -> (0, 0)>
#map1 = affine_map<(d0, d1) -> (0)>
#map2 = affine_map<(d0, d1) -> (0, 0, 0)>
module attributes {stable_mosaic.version = 14 : i64} {
  func.func @k(%arg0: i32, %arg1: i32, %arg2: memref<10000x16xf32, #tpu.memory_space<hbm>>, %arg3: memref<640000xi32, #tpu.memory_space<hbm>>, %arg4: memref<10112x16xf32, #tpu.memory_space<hbm>>, %arg5: memref<2x10112x16xf32, #tpu.memory_space<hbm>>, %arg6: memref<10112xi32, #tpu.memory_space<vmem>>, %arg7: memref<10112xi32, #tpu.memory_space<vmem>>, %arg8: memref<6x128x16xf32, #tpu.memory_space<vmem>>, %arg9: memref<10112x16xf32, #tpu.memory_space<vmem_shared>>, %arg10: memref<!tpu.dma_semaphore, #tpu.memory_space<semaphore_mem>>, %arg11: memref<!tpu.dma_semaphore, #tpu.memory_space<semaphore_mem>>) attributes {dimension_semantics = [#tpu.dimension_semantics<core_parallel>, #tpu.dimension_semantics<subcore_parallel>], iteration_bounds = array<i64: 2, 16>, scalar_prefetch = 0 : i64, scratch_operands = 6 : i64, tpu.core_type = #tpu.core_type<sc_vector_subcore>, window_params = [{transform_indices = #map}, {transform_indices = #map1}, {transform_indices = #map}, {transform_indices = #map2}]} {
    %mul3A = arith.constant 16 : i32
    %mul3A_0 = arith.muli %arg0, %mul3A : i32
    %add3A = arith.addi %mul3A_0, %arg1 : i32
    %eq3A = arith.constant 31 : i32
    %eq3A_1 = arith.cmpi eq, %add3A, %eq3A : i32
    %jit3A = arith.constant 51 : i32
    %jit3A_2 = arith.constant 79 : i32
    %select_n3A = arith.select %eq3A_1, %jit3A, %jit3A_2 : i32
    %mul3A_3 = arith.constant 10112 : i32
    %mul3A_4 = arith.muli %add3A, %mul3A_3 : i32
    %lt3A = arith.constant 31 : i32
    %lt3A_5 = arith.cmpi slt, %add3A, %lt3A : i32
    %convert_element_type3A = arith.extui %lt3A_5 : i1 to i32
    %cond3A = arith.constant 0 : i32
    %cond3A_6 = arith.cmpi ne, %convert_element_type3A, %cond3A : i32
    scf.if %cond3A_6 {
      "tpu.region"() ({
        %run_scoped3A = tpu.sem_alloc : memref<!tpu.dma_semaphore, #tpu.memory_space<semaphore_mem>>
        %dma_start3A_89 = tpu.memref_slice %arg3[%mul3A_4] : memref<640000xi32, #tpu.memory_space<hbm>> -> memref<10112xi32, #tpu.memory_space<hbm>>
        %dma_start3A_90 = tpu.memref_slice %arg3[%mul3A_4] : memref<640000xi32, #tpu.memory_space<hbm>> -> memref<10112xi32, #tpu.memory_space<hbm>>
        tpu.enqueue_dma source(%dma_start3A_90 : memref<10112xi32, #tpu.memory_space<hbm>>) target(%arg6 : memref<10112xi32, #tpu.memory_space<vmem>>) target_semaphore(%run_scoped3A : memref<!tpu.dma_semaphore, #tpu.memory_space<semaphore_mem>>)
        %dma_wait3A_91 = tpu.memref_slice %arg3[%mul3A_4] : memref<640000xi32, #tpu.memory_space<hbm>> -> memref<10112xi32, #tpu.memory_space<hbm>>
        %dma_wait3A_92 = tpu.memref_slice %arg3[%mul3A_4] : memref<640000xi32, #tpu.memory_space<hbm>> -> memref<10112xi32, #tpu.memory_space<hbm>>
        tpu.wait_dma2 semaphore(%run_scoped3A : memref<!tpu.dma_semaphore, #tpu.memory_space<semaphore_mem>>) src(%dma_wait3A_92 : memref<10112xi32, #tpu.memory_space<hbm>>) dst(%arg6 : memref<10112xi32, #tpu.memory_space<vmem>>)
        tpu.yield
      }) : () -> ()
      %add3A_87 = arith.constant 320000 : i32
      %add3A_88 = arith.addi %add3A_87, %mul3A_4 : i32
      "tpu.region"() ({
        %run_scoped3A = tpu.sem_alloc : memref<!tpu.dma_semaphore, #tpu.memory_space<semaphore_mem>>
        %dma_start3A_89 = tpu.memref_slice %arg3[%add3A_88] : memref<640000xi32, #tpu.memory_space<hbm>> -> memref<10112xi32, #tpu.memory_space<hbm>>
        %dma_start3A_90 = tpu.memref_slice %arg3[%add3A_88] : memref<640000xi32, #tpu.memory_space<hbm>> -> memref<10112xi32, #tpu.memory_space<hbm>>
        tpu.enqueue_dma source(%dma_start3A_90 : memref<10112xi32, #tpu.memory_space<hbm>>) target(%arg7 : memref<10112xi32, #tpu.memory_space<vmem>>) target_semaphore(%run_scoped3A : memref<!tpu.dma_semaphore, #tpu.memory_space<semaphore_mem>>)
        %dma_wait3A_91 = tpu.memref_slice %arg3[%add3A_88] : memref<640000xi32, #tpu.memory_space<hbm>> -> memref<10112xi32, #tpu.memory_space<hbm>>
        %dma_wait3A_92 = tpu.memref_slice %arg3[%add3A_88] : memref<640000xi32, #tpu.memory_space<hbm>> -> memref<10112xi32, #tpu.memory_space<hbm>>
        tpu.wait_dma2 semaphore(%run_scoped3A : memref<!tpu.dma_semaphore, #tpu.memory_space<semaphore_mem>>) src(%dma_wait3A_92 : memref<10112xi32, #tpu.memory_space<hbm>>) dst(%arg7 : memref<10112xi32, #tpu.memory_space<vmem>>)
        tpu.yield
      }) : () -> ()
    } else {
    }
    %eq3A_7 = arith.constant 31 : i32
    %eq3A_8 = arith.cmpi eq, %add3A, %eq3A_7 : i32
    %convert_element_type3A_9 = arith.extui %eq3A_8 : i1 to i32
    %cond3A_10 = arith.constant 0 : i32
    %cond3A_11 = arith.cmpi ne, %convert_element_type3A_9, %cond3A_10 : i32
    scf.if %cond3A_11 {
      "tpu.region"() ({
        %run_scoped3A = tpu.sem_alloc : memref<!tpu.dma_semaphore, #tpu.memory_space<semaphore_mem>>
        %dma_start3A_89 = arith.constant 0 : i32
        %dma_start3A_90 = tpu.memref_slice %arg6[%dma_start3A_89] : memref<10112xi32, #tpu.memory_space<vmem>> -> memref<6528xi32, #tpu.memory_space<vmem>>
        %dma_start3A_91 = tpu.memref_slice %arg3[%mul3A_4] : memref<640000xi32, #tpu.memory_space<hbm>> -> memref<6528xi32, #tpu.memory_space<hbm>>
        %dma_start3A_92 = arith.constant 0 : i32
        %dma_start3A_93 = tpu.memref_slice %arg6[%dma_start3A_92] : memref<10112xi32, #tpu.memory_space<vmem>> -> memref<6528xi32, #tpu.memory_space<vmem>>
        %dma_start3A_94 = tpu.memref_slice %arg3[%mul3A_4] : memref<640000xi32, #tpu.memory_space<hbm>> -> memref<6528xi32, #tpu.memory_space<hbm>>
        tpu.enqueue_dma source(%dma_start3A_94 : memref<6528xi32, #tpu.memory_space<hbm>>) target(%dma_start3A_93 : memref<6528xi32, #tpu.memory_space<vmem>>) target_semaphore(%run_scoped3A : memref<!tpu.dma_semaphore, #tpu.memory_space<semaphore_mem>>)
        %dma_wait3A_95 = arith.constant 0 : i32
        %dma_wait3A_96 = tpu.memref_slice %arg6[%dma_wait3A_95] : memref<10112xi32, #tpu.memory_space<vmem>> -> memref<6528xi32, #tpu.memory_space<vmem>>
        %dma_wait3A_97 = tpu.memref_slice %arg3[%mul3A_4] : memref<640000xi32, #tpu.memory_space<hbm>> -> memref<6528xi32, #tpu.memory_space<hbm>>
        %dma_wait3A_98 = arith.constant 0 : i32
        %dma_wait3A_99 = tpu.memref_slice %arg6[%dma_wait3A_98] : memref<10112xi32, #tpu.memory_space<vmem>> -> memref<6528xi32, #tpu.memory_space<vmem>>
        %dma_wait3A_100 = tpu.memref_slice %arg3[%mul3A_4] : memref<640000xi32, #tpu.memory_space<hbm>> -> memref<6528xi32, #tpu.memory_space<hbm>>
        tpu.wait_dma2 semaphore(%run_scoped3A : memref<!tpu.dma_semaphore, #tpu.memory_space<semaphore_mem>>) src(%dma_wait3A_100 : memref<6528xi32, #tpu.memory_space<hbm>>) dst(%dma_wait3A_99 : memref<6528xi32, #tpu.memory_space<vmem>>)
        tpu.yield
      }) : () -> ()
      %add3A_87 = arith.constant 320000 : i32
      %add3A_88 = arith.addi %add3A_87, %mul3A_4 : i32
      "tpu.region"() ({
        %run_scoped3A = tpu.sem_alloc : memref<!tpu.dma_semaphore, #tpu.memory_space<semaphore_mem>>
        %dma_start3A_89 = arith.constant 0 : i32
        %dma_start3A_90 = tpu.memref_slice %arg7[%dma_start3A_89] : memref<10112xi32, #tpu.memory_space<vmem>> -> memref<6528xi32, #tpu.memory_space<vmem>>
        %dma_start3A_91 = tpu.memref_slice %arg3[%add3A_88] : memref<640000xi32, #tpu.memory_space<hbm>> -> memref<6528xi32, #tpu.memory_space<hbm>>
        %dma_start3A_92 = arith.constant 0 : i32
        %dma_start3A_93 = tpu.memref_slice %arg7[%dma_start3A_92] : memref<10112xi32, #tpu.memory_space<vmem>> -> memref<6528xi32, #tpu.memory_space<vmem>>
        %dma_start3A_94 = tpu.memref_slice %arg3[%add3A_88] : memref<640000xi32, #tpu.memory_space<hbm>> -> memref<6528xi32, #tpu.memory_space<hbm>>
        tpu.enqueue_dma source(%dma_start3A_94 : memref<6528xi32, #tpu.memory_space<hbm>>) target(%dma_start3A_93 : memref<6528xi32, #tpu.memory_space<vmem>>) target_semaphore(%run_scoped3A : memref<!tpu.dma_semaphore, #tpu.memory_space<semaphore_mem>>)
        %dma_wait3A_95 = arith.constant 0 : i32
        %dma_wait3A_96 = tpu.memref_slice %arg7[%dma_wait3A_95] : memref<10112xi32, #tpu.memory_space<vmem>> -> memref<6528xi32, #tpu.memory_space<vmem>>
        %dma_wait3A_97 = tpu.memref_slice %arg3[%add3A_88] : memref<640000xi32, #tpu.memory_space<hbm>> -> memref<6528xi32, #tpu.memory_space<hbm>>
        %dma_wait3A_98 = arith.constant 0 : i32
        %dma_wait3A_99 = tpu.memref_slice %arg7[%dma_wait3A_98] : memref<10112xi32, #tpu.memory_space<vmem>> -> memref<6528xi32, #tpu.memory_space<vmem>>
        %dma_wait3A_100 = tpu.memref_slice %arg3[%add3A_88] : memref<640000xi32, #tpu.memory_space<hbm>> -> memref<6528xi32, #tpu.memory_space<hbm>>
        tpu.wait_dma2 semaphore(%run_scoped3A : memref<!tpu.dma_semaphore, #tpu.memory_space<semaphore_mem>>) src(%dma_wait3A_100 : memref<6528xi32, #tpu.memory_space<hbm>>) dst(%dma_wait3A_99 : memref<6528xi32, #tpu.memory_space<vmem>>)
        tpu.yield
      }) : () -> ()
    } else {
    }
    %eq3A_12 = arith.constant 0 : i32
    %eq3A_13 = arith.cmpi eq, %arg1, %eq3A_12 : i32
    %convert_element_type3A_14 = arith.extui %eq3A_13 : i1 to i32
    %cond3A_15 = arith.constant 0 : i32
    %cond3A_16 = arith.cmpi ne, %convert_element_type3A_14, %cond3A_15 : i32
    scf.if %cond3A_16 {
      "tpu.region"() ({
        %run_scoped3A = tpu.sem_alloc : memref<!tpu.dma_semaphore, #tpu.memory_space<semaphore_mem>>
        tpu.enqueue_dma source(%arg4 : memref<10112x16xf32, #tpu.memory_space<hbm>>) target(%arg9 : memref<10112x16xf32, #tpu.memory_space<vmem_shared>>) target_semaphore(%run_scoped3A : memref<!tpu.dma_semaphore, #tpu.memory_space<semaphore_mem>>)
        tpu.wait_dma2 semaphore(%run_scoped3A : memref<!tpu.dma_semaphore, #tpu.memory_space<semaphore_mem>>) src(%arg4 : memref<10112x16xf32, #tpu.memory_space<hbm>>) dst(%arg9 : memref<10112x16xf32, #tpu.memory_space<vmem_shared>>)
        tpu.yield
      }) : () -> ()
    } else {
    }
    %barrier3A = arith.constant 0 : index
    tpu.barrier barrier_id(%barrier3A)
    %dma_start3A = arith.constant 0 : i32
    %dma_start3A_17 = arith.constant 0 : i32
    %dma_start3A_18 = arith.constant 0 : i32
    %dma_start3A_19 = tpu.memref_slice %arg8[%dma_start3A, %dma_start3A_17, %dma_start3A_18] : memref<6x128x16xf32, #tpu.memory_space<vmem>> -> memref<1x128x16xf32, #tpu.memory_space<vmem>>
    %dma_start3A_20 = tpu.memref_squeeze %dma_start3A_19 : memref<1x128x16xf32, #tpu.memory_space<vmem>> -> memref<128x16xf32, #tpu.memory_space<vmem>>
    %dma_start3A_21 = arith.constant 0 : i32
    %dma_start3A_22 = tpu.memref_slice %arg6[%dma_start3A_21] : memref<10112xi32, #tpu.memory_space<vmem>> -> memref<128xi32, #tpu.memory_space<vmem>>
    %dma_start3A_23 = arith.constant 0 : i32
    %dma_start3A_24 = arith.constant 0 : i32
    %dma_start3A_25 = tpu.memref_slice %arg2[%dma_start3A_23, %dma_start3A_24] : memref<10000x16xf32, #tpu.memory_space<hbm>> -> memref<10000x16xf32, #tpu.memory_space<hbm>>
    tpu.enqueue_indirect_dma source(%dma_start3A_25 : memref<10000x16xf32, #tpu.memory_space<hbm>>) target(%dma_start3A_20 : memref<128x16xf32, #tpu.memory_space<vmem>>) offsets(%dma_start3A_22 : memref<128xi32, #tpu.memory_space<vmem>>) semaphore(%arg10 : memref<!tpu.dma_semaphore, #tpu.memory_space<semaphore_mem>>)
    %dma_start3A_26 = arith.constant 1 : i32
    %dma_start3A_27 = arith.constant 0 : i32
    %dma_start3A_28 = arith.constant 0 : i32
    %dma_start3A_29 = tpu.memref_slice %arg8[%dma_start3A_26, %dma_start3A_27, %dma_start3A_28] : memref<6x128x16xf32, #tpu.memory_space<vmem>> -> memref<1x128x16xf32, #tpu.memory_space<vmem>>
    %dma_start3A_30 = tpu.memref_squeeze %dma_start3A_29 : memref<1x128x16xf32, #tpu.memory_space<vmem>> -> memref<128x16xf32, #tpu.memory_space<vmem>>
    %dma_start3A_31 = arith.constant 128 : i32
    %dma_start3A_32 = tpu.memref_slice %arg6[%dma_start3A_31] : memref<10112xi32, #tpu.memory_space<vmem>> -> memref<128xi32, #tpu.memory_space<vmem>>
    %dma_start3A_33 = arith.constant 0 : i32
    %dma_start3A_34 = arith.constant 0 : i32
    %dma_start3A_35 = tpu.memref_slice %arg2[%dma_start3A_33, %dma_start3A_34] : memref<10000x16xf32, #tpu.memory_space<hbm>> -> memref<10000x16xf32, #tpu.memory_space<hbm>>
    tpu.enqueue_indirect_dma source(%dma_start3A_35 : memref<10000x16xf32, #tpu.memory_space<hbm>>) target(%dma_start3A_30 : memref<128x16xf32, #tpu.memory_space<vmem>>) offsets(%dma_start3A_32 : memref<128xi32, #tpu.memory_space<vmem>>) semaphore(%arg10 : memref<!tpu.dma_semaphore, #tpu.memory_space<semaphore_mem>>)
    %dma_start3A_36 = arith.constant 2 : i32
    %dma_start3A_37 = arith.constant 0 : i32
    %dma_start3A_38 = arith.constant 0 : i32
    %dma_start3A_39 = tpu.memref_slice %arg8[%dma_start3A_36, %dma_start3A_37, %dma_start3A_38] : memref<6x128x16xf32, #tpu.memory_space<vmem>> -> memref<1x128x16xf32, #tpu.memory_space<vmem>>
    %dma_start3A_40 = tpu.memref_squeeze %dma_start3A_39 : memref<1x128x16xf32, #tpu.memory_space<vmem>> -> memref<128x16xf32, #tpu.memory_space<vmem>>
    %dma_start3A_41 = arith.constant 256 : i32
    %dma_start3A_42 = tpu.memref_slice %arg6[%dma_start3A_41] : memref<10112xi32, #tpu.memory_space<vmem>> -> memref<128xi32, #tpu.memory_space<vmem>>
    %dma_start3A_43 = arith.constant 0 : i32
    %dma_start3A_44 = arith.constant 0 : i32
    %dma_start3A_45 = tpu.memref_slice %arg2[%dma_start3A_43, %dma_start3A_44] : memref<10000x16xf32, #tpu.memory_space<hbm>> -> memref<10000x16xf32, #tpu.memory_space<hbm>>
    tpu.enqueue_indirect_dma source(%dma_start3A_45 : memref<10000x16xf32, #tpu.memory_space<hbm>>) target(%dma_start3A_40 : memref<128x16xf32, #tpu.memory_space<vmem>>) offsets(%dma_start3A_42 : memref<128xi32, #tpu.memory_space<vmem>>) semaphore(%arg10 : memref<!tpu.dma_semaphore, #tpu.memory_space<semaphore_mem>>)
    %dma_start3A_46 = arith.constant 3 : i32
    %dma_start3A_47 = arith.constant 0 : i32
    %dma_start3A_48 = arith.constant 0 : i32
    %dma_start3A_49 = tpu.memref_slice %arg8[%dma_start3A_46, %dma_start3A_47, %dma_start3A_48] : memref<6x128x16xf32, #tpu.memory_space<vmem>> -> memref<1x128x16xf32, #tpu.memory_space<vmem>>
    %dma_start3A_50 = tpu.memref_squeeze %dma_start3A_49 : memref<1x128x16xf32, #tpu.memory_space<vmem>> -> memref<128x16xf32, #tpu.memory_space<vmem>>
    %dma_start3A_51 = arith.constant 384 : i32
    %dma_start3A_52 = tpu.memref_slice %arg6[%dma_start3A_51] : memref<10112xi32, #tpu.memory_space<vmem>> -> memref<128xi32, #tpu.memory_space<vmem>>
    %dma_start3A_53 = arith.constant 0 : i32
    %dma_start3A_54 = arith.constant 0 : i32
    %dma_start3A_55 = tpu.memref_slice %arg2[%dma_start3A_53, %dma_start3A_54] : memref<10000x16xf32, #tpu.memory_space<hbm>> -> memref<10000x16xf32, #tpu.memory_space<hbm>>
    tpu.enqueue_indirect_dma source(%dma_start3A_55 : memref<10000x16xf32, #tpu.memory_space<hbm>>) target(%dma_start3A_50 : memref<128x16xf32, #tpu.memory_space<vmem>>) offsets(%dma_start3A_52 : memref<128xi32, #tpu.memory_space<vmem>>) semaphore(%arg10 : memref<!tpu.dma_semaphore, #tpu.memory_space<semaphore_mem>>)
    %while3A = arith.constant 0 : i32
    %while3A_56 = arith.constant 0 : i32
    %while3A_57 = arith.subi %select_n3A, %while3A_56 : i32
    %while3A_58 = arith.addi %while3A_56, %while3A_57 : i32
    %while3A_59 = arith.constant 1 : i32
    %while3A_60 = arith.divsi %while3A_57, %while3A_59 : i32
    %while3A_61 = arith.muli %while3A_60, %while3A_59 : i32
    %while3A_62 = arith.addi %while3A_56, %while3A_61 : i32
    %while3A_63 = arith.constant 1 : i32
    scf.for %while3A_87 = %while3A_56 to %while3A_62 step %while3A_63  : i32 {
      %jit3A_88 = arith.constant 6 : i32
      %eq3A_89 = arith.constant 0 : i32
      %eq3A_90 = arith.cmpi eq, %jit3A_88, %eq3A_89 : i32
      %jit3A_91 = arith.constant 1 : i32
      %select_n3A_92 = arith.select %eq3A_90, %jit3A_91, %jit3A_88 : i32
      %rem3A = arith.remsi %while3A_87, %select_n3A_92 : i32
      %ne3A = arith.constant 0 : i32
      %ne3A_93 = arith.cmpi ne, %rem3A, %ne3A : i32
      %lt3A_94 = arith.constant 0 : i32
      %lt3A_95 = arith.cmpi slt, %rem3A, %lt3A_94 : i32
      %lt3A_96 = arith.constant 0 : i32
      %lt3A_97 = arith.cmpi slt, %select_n3A_92, %lt3A_96 : i32
      %ne3A_98 = arith.xori %lt3A_95, %lt3A_97 : i1
      %and3A = arith.andi %ne3A_98, %ne3A_93 : i1
      %add3A_99 = arith.addi %rem3A, %select_n3A_92 : i32
      %select_n3A_100 = arith.select %and3A, %add3A_99, %rem3A : i32
      %mul3A_101 = arith.constant 128 : i32
      %mul3A_102 = arith.muli %while3A_87, %mul3A_101 : i32
      %dma_wait3A_103 = arith.constant 0 : i32
      %dma_wait3A_104 = arith.constant 0 : i32
      %dma_wait3A_105 = tpu.memref_slice %arg8[%select_n3A_100, %dma_wait3A_103, %dma_wait3A_104] : memref<6x128x16xf32, #tpu.memory_space<vmem>> -> memref<1x128x16xf32, #tpu.memory_space<vmem>>
      %dma_wait3A_106 = tpu.memref_squeeze %dma_wait3A_105 : memref<1x128x16xf32, #tpu.memory_space<vmem>> -> memref<128x16xf32, #tpu.memory_space<vmem>>
      %dma_wait3A_107 = tpu.memref_slice %arg6[%mul3A_102] : memref<10112xi32, #tpu.memory_space<vmem>> -> memref<128xi32, #tpu.memory_space<vmem>>
      %dma_wait3A_108 = arith.constant 0 : i32
      %dma_wait3A_109 = arith.constant 0 : i32
      %dma_wait3A_110 = tpu.memref_slice %arg2[%dma_wait3A_108, %dma_wait3A_109] : memref<10000x16xf32, #tpu.memory_space<hbm>> -> memref<10000x16xf32, #tpu.memory_space<hbm>>
      tpu.wait_indirect_dma semaphore(%arg10 : memref<!tpu.dma_semaphore, #tpu.memory_space<semaphore_mem>>) src(%dma_wait3A_110 : memref<10000x16xf32, #tpu.memory_space<hbm>>) dst(%dma_wait3A_106 : memref<128x16xf32, #tpu.memory_space<vmem>>)
      %mul3A_111 = arith.constant 128 : i32
      %mul3A_112 = arith.muli %while3A_87, %mul3A_111 : i32
      %dma_start3A_113 = arith.constant 0 : i32
      %dma_start3A_114 = arith.constant 0 : i32
      %dma_start3A_115 = tpu.memref_slice %arg8[%select_n3A_100, %dma_start3A_113, %dma_start3A_114] : memref<6x128x16xf32, #tpu.memory_space<vmem>> -> memref<1x128x16xf32, #tpu.memory_space<vmem>>
      %dma_start3A_116 = tpu.memref_squeeze %dma_start3A_115 : memref<1x128x16xf32, #tpu.memory_space<vmem>> -> memref<128x16xf32, #tpu.memory_space<vmem>>
      %dma_start3A_117 = tpu.memref_slice %arg7[%mul3A_112] : memref<10112xi32, #tpu.memory_space<vmem>> -> memref<128xi32, #tpu.memory_space<vmem>>
      %dma_start3A_118 = arith.constant 0 : i32
      %dma_start3A_119 = arith.constant 0 : i32
      %dma_start3A_120 = tpu.memref_slice %arg9[%dma_start3A_118, %dma_start3A_119] : memref<10112x16xf32, #tpu.memory_space<vmem_shared>> -> memref<10112x16xf32, #tpu.memory_space<vmem_shared>>
      tpu.enqueue_indirect_dma source(%dma_start3A_116 : memref<128x16xf32, #tpu.memory_space<vmem>>) target(%dma_start3A_120 : memref<10112x16xf32, #tpu.memory_space<vmem_shared>>) offsets(%dma_start3A_117 : memref<128xi32, #tpu.memory_space<vmem>>) semaphore(%arg11 : memref<!tpu.dma_semaphore, #tpu.memory_space<semaphore_mem>>) {add = true}
      %ge3A = arith.constant 2 : i32
      %ge3A_121 = arith.cmpi sge, %while3A_87, %ge3A : i32
      %convert_element_type3A_122 = arith.extui %ge3A_121 : i1 to i32
      %cond3A_123 = arith.constant 0 : i32
      %cond3A_124 = arith.cmpi ne, %convert_element_type3A_122, %cond3A_123 : i32
      scf.if %cond3A_124 {
        %dma_wait3A_131 = arith.constant 0 : i32
        %dma_wait3A_132 = arith.constant 0 : i32
        %dma_wait3A_133 = arith.constant 0 : i32
        %dma_wait3A_134 = tpu.memref_slice %arg8[%dma_wait3A_131, %dma_wait3A_132, %dma_wait3A_133] : memref<6x128x16xf32, #tpu.memory_space<vmem>> -> memref<1x128x16xf32, #tpu.memory_space<vmem>>
        %dma_wait3A_135 = tpu.memref_squeeze %dma_wait3A_134 : memref<1x128x16xf32, #tpu.memory_space<vmem>> -> memref<128x16xf32, #tpu.memory_space<vmem>>
        %dma_wait3A_136 = arith.constant 0 : i32
        %dma_wait3A_137 = tpu.memref_slice %arg7[%dma_wait3A_136] : memref<10112xi32, #tpu.memory_space<vmem>> -> memref<128xi32, #tpu.memory_space<vmem>>
        %dma_wait3A_138 = arith.constant 0 : i32
        %dma_wait3A_139 = arith.constant 0 : i32
        %dma_wait3A_140 = tpu.memref_slice %arg9[%dma_wait3A_138, %dma_wait3A_139] : memref<10112x16xf32, #tpu.memory_space<vmem_shared>> -> memref<10112x16xf32, #tpu.memory_space<vmem_shared>>
        tpu.wait_indirect_dma semaphore(%arg11 : memref<!tpu.dma_semaphore, #tpu.memory_space<semaphore_mem>>) src(%dma_wait3A_135 : memref<128x16xf32, #tpu.memory_space<vmem>>) dst(%dma_wait3A_140 : memref<10112x16xf32, #tpu.memory_space<vmem_shared>>)
      } else {
      }
      %add3A_125 = arith.constant 4 : i32
      %add3A_126 = arith.addi %while3A_87, %add3A_125 : i32
      %lt3A_127 = arith.cmpi slt, %add3A_126, %select_n3A : i32
      %convert_element_type3A_128 = arith.extui %lt3A_127 : i1 to i32
      %cond3A_129 = arith.constant 0 : i32
      %cond3A_130 = arith.cmpi ne, %convert_element_type3A_128, %cond3A_129 : i32
      scf.if %cond3A_130 {
        %add3A_131 = arith.constant 4 : i32
        %add3A_132 = arith.addi %while3A_87, %add3A_131 : i32
        %mul3A_133 = arith.constant 128 : i32
        %mul3A_134 = arith.muli %add3A_132, %mul3A_133 : i32
        %jit3A_135 = arith.constant 6 : i32
        %eq3A_136 = arith.constant 0 : i32
        %eq3A_137 = arith.cmpi eq, %jit3A_135, %eq3A_136 : i32
        %jit3A_138 = arith.constant 1 : i32
        %select_n3A_139 = arith.select %eq3A_137, %jit3A_138, %jit3A_135 : i32
        %rem3A_140 = arith.remsi %add3A_132, %select_n3A_139 : i32
        %ne3A_141 = arith.constant 0 : i32
        %ne3A_142 = arith.cmpi ne, %rem3A_140, %ne3A_141 : i32
        %lt3A_143 = arith.constant 0 : i32
        %lt3A_144 = arith.cmpi slt, %rem3A_140, %lt3A_143 : i32
        %lt3A_145 = arith.constant 0 : i32
        %lt3A_146 = arith.cmpi slt, %select_n3A_139, %lt3A_145 : i32
        %ne3A_147 = arith.xori %lt3A_144, %lt3A_146 : i1
        %and3A_148 = arith.andi %ne3A_147, %ne3A_142 : i1
        %add3A_149 = arith.addi %rem3A_140, %select_n3A_139 : i32
        %select_n3A_150 = arith.select %and3A_148, %add3A_149, %rem3A_140 : i32
        %dma_start3A_151 = arith.constant 0 : i32
        %dma_start3A_152 = arith.constant 0 : i32
        %dma_start3A_153 = tpu.memref_slice %arg8[%select_n3A_150, %dma_start3A_151, %dma_start3A_152] : memref<6x128x16xf32, #tpu.memory_space<vmem>> -> memref<1x128x16xf32, #tpu.memory_space<vmem>>
        %dma_start3A_154 = tpu.memref_squeeze %dma_start3A_153 : memref<1x128x16xf32, #tpu.memory_space<vmem>> -> memref<128x16xf32, #tpu.memory_space<vmem>>
        %dma_start3A_155 = tpu.memref_slice %arg6[%mul3A_134] : memref<10112xi32, #tpu.memory_space<vmem>> -> memref<128xi32, #tpu.memory_space<vmem>>
        %dma_start3A_156 = arith.constant 0 : i32
        %dma_start3A_157 = arith.constant 0 : i32
        %dma_start3A_158 = tpu.memref_slice %arg2[%dma_start3A_156, %dma_start3A_157] : memref<10000x16xf32, #tpu.memory_space<hbm>> -> memref<10000x16xf32, #tpu.memory_space<hbm>>
        tpu.enqueue_indirect_dma source(%dma_start3A_158 : memref<10000x16xf32, #tpu.memory_space<hbm>>) target(%dma_start3A_154 : memref<128x16xf32, #tpu.memory_space<vmem>>) offsets(%dma_start3A_155 : memref<128xi32, #tpu.memory_space<vmem>>) semaphore(%arg10 : memref<!tpu.dma_semaphore, #tpu.memory_space<semaphore_mem>>)
      } else {
      }
    }
    %while3A_64 = arith.constant 1 : i32
    scf.for %while3A_87 = %while3A_62 to %while3A_58 step %while3A_64  : i32 {
      %jit3A_88 = arith.constant 6 : i32
      %eq3A_89 = arith.constant 0 : i32
      %eq3A_90 = arith.cmpi eq, %jit3A_88, %eq3A_89 : i32
      %jit3A_91 = arith.constant 1 : i32
      %select_n3A_92 = arith.select %eq3A_90, %jit3A_91, %jit3A_88 : i32
      %rem3A = arith.remsi %while3A_87, %select_n3A_92 : i32
      %ne3A = arith.constant 0 : i32
      %ne3A_93 = arith.cmpi ne, %rem3A, %ne3A : i32
      %lt3A_94 = arith.constant 0 : i32
      %lt3A_95 = arith.cmpi slt, %rem3A, %lt3A_94 : i32
      %lt3A_96 = arith.constant 0 : i32
      %lt3A_97 = arith.cmpi slt, %select_n3A_92, %lt3A_96 : i32
      %ne3A_98 = arith.xori %lt3A_95, %lt3A_97 : i1
      %and3A = arith.andi %ne3A_98, %ne3A_93 : i1
      %add3A_99 = arith.addi %rem3A, %select_n3A_92 : i32
      %select_n3A_100 = arith.select %and3A, %add3A_99, %rem3A : i32
      %mul3A_101 = arith.constant 128 : i32
      %mul3A_102 = arith.muli %while3A_87, %mul3A_101 : i32
      %dma_wait3A_103 = arith.constant 0 : i32
      %dma_wait3A_104 = arith.constant 0 : i32
      %dma_wait3A_105 = tpu.memref_slice %arg8[%select_n3A_100, %dma_wait3A_103, %dma_wait3A_104] : memref<6x128x16xf32, #tpu.memory_space<vmem>> -> memref<1x128x16xf32, #tpu.memory_space<vmem>>
      %dma_wait3A_106 = tpu.memref_squeeze %dma_wait3A_105 : memref<1x128x16xf32, #tpu.memory_space<vmem>> -> memref<128x16xf32, #tpu.memory_space<vmem>>
      %dma_wait3A_107 = tpu.memref_slice %arg6[%mul3A_102] : memref<10112xi32, #tpu.memory_space<vmem>> -> memref<128xi32, #tpu.memory_space<vmem>>
      %dma_wait3A_108 = arith.constant 0 : i32
      %dma_wait3A_109 = arith.constant 0 : i32
      %dma_wait3A_110 = tpu.memref_slice %arg2[%dma_wait3A_108, %dma_wait3A_109] : memref<10000x16xf32, #tpu.memory_space<hbm>> -> memref<10000x16xf32, #tpu.memory_space<hbm>>
      tpu.wait_indirect_dma semaphore(%arg10 : memref<!tpu.dma_semaphore, #tpu.memory_space<semaphore_mem>>) src(%dma_wait3A_110 : memref<10000x16xf32, #tpu.memory_space<hbm>>) dst(%dma_wait3A_106 : memref<128x16xf32, #tpu.memory_space<vmem>>)
      %mul3A_111 = arith.constant 128 : i32
      %mul3A_112 = arith.muli %while3A_87, %mul3A_111 : i32
      %dma_start3A_113 = arith.constant 0 : i32
      %dma_start3A_114 = arith.constant 0 : i32
      %dma_start3A_115 = tpu.memref_slice %arg8[%select_n3A_100, %dma_start3A_113, %dma_start3A_114] : memref<6x128x16xf32, #tpu.memory_space<vmem>> -> memref<1x128x16xf32, #tpu.memory_space<vmem>>
      %dma_start3A_116 = tpu.memref_squeeze %dma_start3A_115 : memref<1x128x16xf32, #tpu.memory_space<vmem>> -> memref<128x16xf32, #tpu.memory_space<vmem>>
      %dma_start3A_117 = tpu.memref_slice %arg7[%mul3A_112] : memref<10112xi32, #tpu.memory_space<vmem>> -> memref<128xi32, #tpu.memory_space<vmem>>
      %dma_start3A_118 = arith.constant 0 : i32
      %dma_start3A_119 = arith.constant 0 : i32
      %dma_start3A_120 = tpu.memref_slice %arg9[%dma_start3A_118, %dma_start3A_119] : memref<10112x16xf32, #tpu.memory_space<vmem_shared>> -> memref<10112x16xf32, #tpu.memory_space<vmem_shared>>
      tpu.enqueue_indirect_dma source(%dma_start3A_116 : memref<128x16xf32, #tpu.memory_space<vmem>>) target(%dma_start3A_120 : memref<10112x16xf32, #tpu.memory_space<vmem_shared>>) offsets(%dma_start3A_117 : memref<128xi32, #tpu.memory_space<vmem>>) semaphore(%arg11 : memref<!tpu.dma_semaphore, #tpu.memory_space<semaphore_mem>>) {add = true}
      %ge3A = arith.constant 2 : i32
      %ge3A_121 = arith.cmpi sge, %while3A_87, %ge3A : i32
      %convert_element_type3A_122 = arith.extui %ge3A_121 : i1 to i32
      %cond3A_123 = arith.constant 0 : i32
      %cond3A_124 = arith.cmpi ne, %convert_element_type3A_122, %cond3A_123 : i32
      scf.if %cond3A_124 {
        %dma_wait3A_131 = arith.constant 0 : i32
        %dma_wait3A_132 = arith.constant 0 : i32
        %dma_wait3A_133 = arith.constant 0 : i32
        %dma_wait3A_134 = tpu.memref_slice %arg8[%dma_wait3A_131, %dma_wait3A_132, %dma_wait3A_133] : memref<6x128x16xf32, #tpu.memory_space<vmem>> -> memref<1x128x16xf32, #tpu.memory_space<vmem>>
        %dma_wait3A_135 = tpu.memref_squeeze %dma_wait3A_134 : memref<1x128x16xf32, #tpu.memory_space<vmem>> -> memref<128x16xf32, #tpu.memory_space<vmem>>
        %dma_wait3A_136 = arith.constant 0 : i32
        %dma_wait3A_137 = tpu.memref_slice %arg7[%dma_wait3A_136] : memref<10112xi32, #tpu.memory_space<vmem>> -> memref<128xi32, #tpu.memory_space<vmem>>
        %dma_wait3A_138 = arith.constant 0 : i32
        %dma_wait3A_139 = arith.constant 0 : i32
        %dma_wait3A_140 = tpu.memref_slice %arg9[%dma_wait3A_138, %dma_wait3A_139] : memref<10112x16xf32, #tpu.memory_space<vmem_shared>> -> memref<10112x16xf32, #tpu.memory_space<vmem_shared>>
        tpu.wait_indirect_dma semaphore(%arg11 : memref<!tpu.dma_semaphore, #tpu.memory_space<semaphore_mem>>) src(%dma_wait3A_135 : memref<128x16xf32, #tpu.memory_space<vmem>>) dst(%dma_wait3A_140 : memref<10112x16xf32, #tpu.memory_space<vmem_shared>>)
      } else {
      }
      %add3A_125 = arith.constant 4 : i32
      %add3A_126 = arith.addi %while3A_87, %add3A_125 : i32
      %lt3A_127 = arith.cmpi slt, %add3A_126, %select_n3A : i32
      %convert_element_type3A_128 = arith.extui %lt3A_127 : i1 to i32
      %cond3A_129 = arith.constant 0 : i32
      %cond3A_130 = arith.cmpi ne, %convert_element_type3A_128, %cond3A_129 : i32
      scf.if %cond3A_130 {
        %add3A_131 = arith.constant 4 : i32
        %add3A_132 = arith.addi %while3A_87, %add3A_131 : i32
        %mul3A_133 = arith.constant 128 : i32
        %mul3A_134 = arith.muli %add3A_132, %mul3A_133 : i32
        %jit3A_135 = arith.constant 6 : i32
        %eq3A_136 = arith.constant 0 : i32
        %eq3A_137 = arith.cmpi eq, %jit3A_135, %eq3A_136 : i32
        %jit3A_138 = arith.constant 1 : i32
        %select_n3A_139 = arith.select %eq3A_137, %jit3A_138, %jit3A_135 : i32
        %rem3A_140 = arith.remsi %add3A_132, %select_n3A_139 : i32
        %ne3A_141 = arith.constant 0 : i32
        %ne3A_142 = arith.cmpi ne, %rem3A_140, %ne3A_141 : i32
        %lt3A_143 = arith.constant 0 : i32
        %lt3A_144 = arith.cmpi slt, %rem3A_140, %lt3A_143 : i32
        %lt3A_145 = arith.constant 0 : i32
        %lt3A_146 = arith.cmpi slt, %select_n3A_139, %lt3A_145 : i32
        %ne3A_147 = arith.xori %lt3A_144, %lt3A_146 : i1
        %and3A_148 = arith.andi %ne3A_147, %ne3A_142 : i1
        %add3A_149 = arith.addi %rem3A_140, %select_n3A_139 : i32
        %select_n3A_150 = arith.select %and3A_148, %add3A_149, %rem3A_140 : i32
        %dma_start3A_151 = arith.constant 0 : i32
        %dma_start3A_152 = arith.constant 0 : i32
        %dma_start3A_153 = tpu.memref_slice %arg8[%select_n3A_150, %dma_start3A_151, %dma_start3A_152] : memref<6x128x16xf32, #tpu.memory_space<vmem>> -> memref<1x128x16xf32, #tpu.memory_space<vmem>>
        %dma_start3A_154 = tpu.memref_squeeze %dma_start3A_153 : memref<1x128x16xf32, #tpu.memory_space<vmem>> -> memref<128x16xf32, #tpu.memory_space<vmem>>
        %dma_start3A_155 = tpu.memref_slice %arg6[%mul3A_134] : memref<10112xi32, #tpu.memory_space<vmem>> -> memref<128xi32, #tpu.memory_space<vmem>>
        %dma_start3A_156 = arith.constant 0 : i32
        %dma_start3A_157 = arith.constant 0 : i32
        %dma_start3A_158 = tpu.memref_slice %arg2[%dma_start3A_156, %dma_start3A_157] : memref<10000x16xf32, #tpu.memory_space<hbm>> -> memref<10000x16xf32, #tpu.memory_space<hbm>>
        tpu.enqueue_indirect_dma source(%dma_start3A_158 : memref<10000x16xf32, #tpu.memory_space<hbm>>) target(%dma_start3A_154 : memref<128x16xf32, #tpu.memory_space<vmem>>) offsets(%dma_start3A_155 : memref<128xi32, #tpu.memory_space<vmem>>) semaphore(%arg10 : memref<!tpu.dma_semaphore, #tpu.memory_space<semaphore_mem>>)
      } else {
      }
    }
    %dma_wait3A = arith.constant 0 : i32
    %dma_wait3A_65 = arith.constant 0 : i32
    %dma_wait3A_66 = arith.constant 0 : i32
    %dma_wait3A_67 = tpu.memref_slice %arg8[%dma_wait3A, %dma_wait3A_65, %dma_wait3A_66] : memref<6x128x16xf32, #tpu.memory_space<vmem>> -> memref<1x128x16xf32, #tpu.memory_space<vmem>>
    %dma_wait3A_68 = tpu.memref_squeeze %dma_wait3A_67 : memref<1x128x16xf32, #tpu.memory_space<vmem>> -> memref<128x16xf32, #tpu.memory_space<vmem>>
    %dma_wait3A_69 = arith.constant 0 : i32
    %dma_wait3A_70 = tpu.memref_slice %arg7[%dma_wait3A_69] : memref<10112xi32, #tpu.memory_space<vmem>> -> memref<128xi32, #tpu.memory_space<vmem>>
    %dma_wait3A_71 = arith.constant 0 : i32
    %dma_wait3A_72 = arith.constant 0 : i32
    %dma_wait3A_73 = tpu.memref_slice %arg9[%dma_wait3A_71, %dma_wait3A_72] : memref<10112x16xf32, #tpu.memory_space<vmem_shared>> -> memref<10112x16xf32, #tpu.memory_space<vmem_shared>>
    tpu.wait_indirect_dma semaphore(%arg11 : memref<!tpu.dma_semaphore, #tpu.memory_space<semaphore_mem>>) src(%dma_wait3A_68 : memref<128x16xf32, #tpu.memory_space<vmem>>) dst(%dma_wait3A_73 : memref<10112x16xf32, #tpu.memory_space<vmem_shared>>)
    %dma_wait3A_74 = arith.constant 0 : i32
    %dma_wait3A_75 = arith.constant 0 : i32
    %dma_wait3A_76 = arith.constant 0 : i32
    %dma_wait3A_77 = tpu.memref_slice %arg8[%dma_wait3A_74, %dma_wait3A_75, %dma_wait3A_76] : memref<6x128x16xf32, #tpu.memory_space<vmem>> -> memref<1x128x16xf32, #tpu.memory_space<vmem>>
    %dma_wait3A_78 = tpu.memref_squeeze %dma_wait3A_77 : memref<1x128x16xf32, #tpu.memory_space<vmem>> -> memref<128x16xf32, #tpu.memory_space<vmem>>
    %dma_wait3A_79 = arith.constant 0 : i32
    %dma_wait3A_80 = tpu.memref_slice %arg7[%dma_wait3A_79] : memref<10112xi32, #tpu.memory_space<vmem>> -> memref<128xi32, #tpu.memory_space<vmem>>
    %dma_wait3A_81 = arith.constant 0 : i32
    %dma_wait3A_82 = arith.constant 0 : i32
    %dma_wait3A_83 = tpu.memref_slice %arg9[%dma_wait3A_81, %dma_wait3A_82] : memref<10112x16xf32, #tpu.memory_space<vmem_shared>> -> memref<10112x16xf32, #tpu.memory_space<vmem_shared>>
    tpu.wait_indirect_dma semaphore(%arg11 : memref<!tpu.dma_semaphore, #tpu.memory_space<semaphore_mem>>) src(%dma_wait3A_78 : memref<128x16xf32, #tpu.memory_space<vmem>>) dst(%dma_wait3A_83 : memref<10112x16xf32, #tpu.memory_space<vmem_shared>>)
    %barrier3A_84 = arith.constant 0 : index
    tpu.barrier barrier_id(%barrier3A_84)
    %mul3A_85 = arith.constant 632 : i32
    %mul3A_86 = arith.muli %arg1, %mul3A_85 : i32
    "tpu.region"() ({
      %run_scoped3A = tpu.sem_alloc : memref<!tpu.dma_semaphore, #tpu.memory_space<semaphore_mem>>
      %dma_start3A_87 = arith.constant 0 : i32
      %dma_start3A_88 = arith.constant 0 : i32
      %dma_start3A_89 = tpu.memref_slice %arg5[%arg0, %dma_start3A_87, %dma_start3A_88] : memref<2x10112x16xf32, #tpu.memory_space<hbm>> -> memref<1x10112x16xf32, #tpu.memory_space<hbm>>
      %dma_start3A_90 = tpu.memref_squeeze %dma_start3A_89 : memref<1x10112x16xf32, #tpu.memory_space<hbm>> -> memref<10112x16xf32, #tpu.memory_space<hbm>>
      %dma_start3A_91 = arith.constant 0 : i32
      %dma_start3A_92 = tpu.memref_slice %dma_start3A_90[%mul3A_86, %dma_start3A_91] : memref<10112x16xf32, #tpu.memory_space<hbm>> -> memref<632x16xf32, #tpu.memory_space<hbm>>
      %dma_start3A_93 = arith.constant 0 : i32
      %dma_start3A_94 = tpu.memref_slice %arg9[%mul3A_86, %dma_start3A_93] : memref<10112x16xf32, #tpu.memory_space<vmem_shared>> -> memref<632x16xf32, #tpu.memory_space<vmem_shared>>
      tpu.enqueue_dma source(%dma_start3A_94 : memref<632x16xf32, #tpu.memory_space<vmem_shared>>) target(%dma_start3A_92 : memref<632x16xf32, #tpu.memory_space<hbm>>) target_semaphore(%run_scoped3A : memref<!tpu.dma_semaphore, #tpu.memory_space<semaphore_mem>>)
      %dma_wait3A_95 = arith.constant 0 : i32
      %dma_wait3A_96 = arith.constant 0 : i32
      %dma_wait3A_97 = tpu.memref_slice %arg5[%arg0, %dma_wait3A_95, %dma_wait3A_96] : memref<2x10112x16xf32, #tpu.memory_space<hbm>> -> memref<1x10112x16xf32, #tpu.memory_space<hbm>>
      %dma_wait3A_98 = tpu.memref_squeeze %dma_wait3A_97 : memref<1x10112x16xf32, #tpu.memory_space<hbm>> -> memref<10112x16xf32, #tpu.memory_space<hbm>>
      %dma_wait3A_99 = arith.constant 0 : i32
      %dma_wait3A_100 = tpu.memref_slice %dma_wait3A_98[%mul3A_86, %dma_wait3A_99] : memref<10112x16xf32, #tpu.memory_space<hbm>> -> memref<632x16xf32, #tpu.memory_space<hbm>>
      %dma_wait3A_101 = arith.constant 0 : i32
      %dma_wait3A_102 = tpu.memref_slice %arg9[%mul3A_86, %dma_wait3A_101] : memref<10112x16xf32, #tpu.memory_space<vmem_shared>> -> memref<632x16xf32, #tpu.memory_space<vmem_shared>>
      tpu.wait_dma2 semaphore(%run_scoped3A : memref<!tpu.dma_semaphore, #tpu.memory_space<semaphore_mem>>) src(%dma_wait3A_102 : memref<632x16xf32, #tpu.memory_space<vmem_shared>>) dst(%dma_wait3A_100 : memref<632x16xf32, #tpu.memory_space<hbm>>)
      tpu.yield
    }) : () -> ()
    return
  }
}

#map = affine_map<(d0, d1) -> (0, 0)>
#map1 = affine_map<(d0, d1) -> (0)>
#map2 = affine_map<(d0, d1) -> (0, 0, 0)>
module attributes {stable_mosaic.version = 14 : i64} {
  func.func @k(%arg0: i32, %arg1: i32, %arg2: memref<10000x16xf32, #tpu.memory_space<hbm>>, %arg3: memref<640000xi32, #tpu.memory_space<hbm>>, %arg4: memref<10112x16xf32, #tpu.memory_space<hbm>>, %arg5: memref<2x10112x16xf32, #tpu.memory_space<hbm>>, %arg6: memref<10112xi32, #tpu.memory_space<vmem>>, %arg7: memref<10112xi32, #tpu.memory_space<vmem>>, %arg8: memref<6x128x16xf32, #tpu.memory_space<vmem>>, %arg9: memref<10112x16xf32, #tpu.memory_space<vmem_shared>>, %arg10: memref<!tpu.dma_semaphore, #tpu.memory_space<semaphore_mem>>, %arg11: memref<!tpu.dma_semaphore, #tpu.memory_space<semaphore_mem>>) attributes {dimension_semantics = [#tpu.dimension_semantics<core_parallel>, #tpu.dimension_semantics<subcore_parallel>], iteration_bounds = array<i64: 2, 16>, scalar_prefetch = 0 : i64, scratch_operands = 6 : i64, tpu.core_type = #tpu.core_type<sc_vector_subcore>, window_params = [{transform_indices = #map}, {transform_indices = #map1}, {transform_indices = #map}, {transform_indices = #map2}]} {
    %mul3A = arith.constant 16 : i32
    %mul3A_0 = arith.muli %arg0, %mul3A : i32
    %add3A = arith.addi %mul3A_0, %arg1 : i32
    %eq3A = arith.constant 31 : i32
    %eq3A_1 = arith.cmpi eq, %add3A, %eq3A : i32
    %jit3A = arith.constant 51 : i32
    %jit3A_2 = arith.constant 79 : i32
    %select_n3A = arith.select %eq3A_1, %jit3A, %jit3A_2 : i32
    %mul3A_3 = arith.constant 10112 : i32
    %mul3A_4 = arith.muli %add3A, %mul3A_3 : i32
    %lt3A = arith.constant 31 : i32
    %lt3A_5 = arith.cmpi slt, %add3A, %lt3A : i32
    %convert_element_type3A = arith.extui %lt3A_5 : i1 to i32
    %cond3A = arith.constant 0 : i32
    %cond3A_6 = arith.cmpi ne, %convert_element_type3A, %cond3A : i32
    scf.if %cond3A_6 {
      "tpu.region"() ({
        %run_scoped3A = tpu.sem_alloc : memref<!tpu.dma_semaphore, #tpu.memory_space<semaphore_mem>>
        %dma_start3A_89 = tpu.memref_slice %arg3[%mul3A_4] : memref<640000xi32, #tpu.memory_space<hbm>> -> memref<10112xi32, #tpu.memory_space<hbm>>
        %dma_start3A_90 = tpu.memref_slice %arg3[%mul3A_4] : memref<640000xi32, #tpu.memory_space<hbm>> -> memref<10112xi32, #tpu.memory_space<hbm>>
        tpu.enqueue_dma source(%dma_start3A_90 : memref<10112xi32, #tpu.memory_space<hbm>>) target(%arg6 : memref<10112xi32, #tpu.memory_space<vmem>>) target_semaphore(%run_scoped3A : memref<!tpu.dma_semaphore, #tpu.memory_space<semaphore_mem>>)
        %dma_wait3A_91 = tpu.memref_slice %arg3[%mul3A_4] : memref<640000xi32, #tpu.memory_space<hbm>> -> memref<10112xi32, #tpu.memory_space<hbm>>
        %dma_wait3A_92 = tpu.memref_slice %arg3[%mul3A_4] : memref<640000xi32, #tpu.memory_space<hbm>> -> memref<10112xi32, #tpu.memory_space<hbm>>
        tpu.wait_dma2 semaphore(%run_scoped3A : memref<!tpu.dma_semaphore, #tpu.memory_space<semaphore_mem>>) src(%dma_wait3A_92 : memref<10112xi32, #tpu.memory_space<hbm>>) dst(%arg6 : memref<10112xi32, #tpu.memory_space<vmem>>)
        tpu.yield
      }) : () -> ()
      %add3A_87 = arith.constant 320000 : i32
      %add3A_88 = arith.addi %add3A_87, %mul3A_4 : i32
      "tpu.region"() ({
        %run_scoped3A = tpu.sem_alloc : memref<!tpu.dma_semaphore, #tpu.memory_space<semaphore_mem>>
        %dma_start3A_89 = tpu.memref_slice %arg3[%add3A_88] : memref<640000xi32, #tpu.memory_space<hbm>> -> memref<10112xi32, #tpu.memory_space<hbm>>
        %dma_start3A_90 = tpu.memref_slice %arg3[%add3A_88] : memref<640000xi32, #tpu.memory_space<hbm>> -> memref<10112xi32, #tpu.memory_space<hbm>>
        tpu.enqueue_dma source(%dma_start3A_90 : memref<10112xi32, #tpu.memory_space<hbm>>) target(%arg7 : memref<10112xi32, #tpu.memory_space<vmem>>) target_semaphore(%run_scoped3A : memref<!tpu.dma_semaphore, #tpu.memory_space<semaphore_mem>>)
        %dma_wait3A_91 = tpu.memref_slice %arg3[%add3A_88] : memref<640000xi32, #tpu.memory_space<hbm>> -> memref<10112xi32, #tpu.memory_space<hbm>>
        %dma_wait3A_92 = tpu.memref_slice %arg3[%add3A_88] : memref<640000xi32, #tpu.memory_space<hbm>> -> memref<10112xi32, #tpu.memory_space<hbm>>
        tpu.wait_dma2 semaphore(%run_scoped3A : memref<!tpu.dma_semaphore, #tpu.memory_space<semaphore_mem>>) src(%dma_wait3A_92 : memref<10112xi32, #tpu.memory_space<hbm>>) dst(%arg7 : memref<10112xi32, #tpu.memory_space<vmem>>)
        tpu.yield
      }) : () -> ()
    } else {
    }
    %eq3A_7 = arith.constant 31 : i32
    %eq3A_8 = arith.cmpi eq, %add3A, %eq3A_7 : i32
    %convert_element_type3A_9 = arith.extui %eq3A_8 : i1 to i32
    %cond3A_10 = arith.constant 0 : i32
    %cond3A_11 = arith.cmpi ne, %convert_element_type3A_9, %cond3A_10 : i32
    scf.if %cond3A_11 {
      "tpu.region"() ({
        %run_scoped3A = tpu.sem_alloc : memref<!tpu.dma_semaphore, #tpu.memory_space<semaphore_mem>>
        %dma_start3A_89 = arith.constant 0 : i32
        %dma_start3A_90 = tpu.memref_slice %arg6[%dma_start3A_89] : memref<10112xi32, #tpu.memory_space<vmem>> -> memref<6528xi32, #tpu.memory_space<vmem>>
        %dma_start3A_91 = tpu.memref_slice %arg3[%mul3A_4] : memref<640000xi32, #tpu.memory_space<hbm>> -> memref<6528xi32, #tpu.memory_space<hbm>>
        %dma_start3A_92 = arith.constant 0 : i32
        %dma_start3A_93 = tpu.memref_slice %arg6[%dma_start3A_92] : memref<10112xi32, #tpu.memory_space<vmem>> -> memref<6528xi32, #tpu.memory_space<vmem>>
        %dma_start3A_94 = tpu.memref_slice %arg3[%mul3A_4] : memref<640000xi32, #tpu.memory_space<hbm>> -> memref<6528xi32, #tpu.memory_space<hbm>>
        tpu.enqueue_dma source(%dma_start3A_94 : memref<6528xi32, #tpu.memory_space<hbm>>) target(%dma_start3A_93 : memref<6528xi32, #tpu.memory_space<vmem>>) target_semaphore(%run_scoped3A : memref<!tpu.dma_semaphore, #tpu.memory_space<semaphore_mem>>)
        %dma_wait3A_95 = arith.constant 0 : i32
        %dma_wait3A_96 = tpu.memref_slice %arg6[%dma_wait3A_95] : memref<10112xi32, #tpu.memory_space<vmem>> -> memref<6528xi32, #tpu.memory_space<vmem>>
        %dma_wait3A_97 = tpu.memref_slice %arg3[%mul3A_4] : memref<640000xi32, #tpu.memory_space<hbm>> -> memref<6528xi32, #tpu.memory_space<hbm>>
        %dma_wait3A_98 = arith.constant 0 : i32
        %dma_wait3A_99 = tpu.memref_slice %arg6[%dma_wait3A_98] : memref<10112xi32, #tpu.memory_space<vmem>> -> memref<6528xi32, #tpu.memory_space<vmem>>
        %dma_wait3A_100 = tpu.memref_slice %arg3[%mul3A_4] : memref<640000xi32, #tpu.memory_space<hbm>> -> memref<6528xi32, #tpu.memory_space<hbm>>
        tpu.wait_dma2 semaphore(%run_scoped3A : memref<!tpu.dma_semaphore, #tpu.memory_space<semaphore_mem>>) src(%dma_wait3A_100 : memref<6528xi32, #tpu.memory_space<hbm>>) dst(%dma_wait3A_99 : memref<6528xi32, #tpu.memory_space<vmem>>)
        tpu.yield
      }) : () -> ()
      %add3A_87 = arith.constant 320000 : i32
      %add3A_88 = arith.addi %add3A_87, %mul3A_4 : i32
      "tpu.region"() ({
        %run_scoped3A = tpu.sem_alloc : memref<!tpu.dma_semaphore, #tpu.memory_space<semaphore_mem>>
        %dma_start3A_89 = arith.constant 0 : i32
        %dma_start3A_90 = tpu.memref_slice %arg7[%dma_start3A_89] : memref<10112xi32, #tpu.memory_space<vmem>> -> memref<6528xi32, #tpu.memory_space<vmem>>
        %dma_start3A_91 = tpu.memref_slice %arg3[%add3A_88] : memref<640000xi32, #tpu.memory_space<hbm>> -> memref<6528xi32, #tpu.memory_space<hbm>>
        %dma_start3A_92 = arith.constant 0 : i32
        %dma_start3A_93 = tpu.memref_slice %arg7[%dma_start3A_92] : memref<10112xi32, #tpu.memory_space<vmem>> -> memref<6528xi32, #tpu.memory_space<vmem>>
        %dma_start3A_94 = tpu.memref_slice %arg3[%add3A_88] : memref<640000xi32, #tpu.memory_space<hbm>> -> memref<6528xi32, #tpu.memory_space<hbm>>
        tpu.enqueue_dma source(%dma_start3A_94 : memref<6528xi32, #tpu.memory_space<hbm>>) target(%dma_start3A_93 : memref<6528xi32, #tpu.memory_space<vmem>>) target_semaphore(%run_scoped3A : memref<!tpu.dma_semaphore, #tpu.memory_space<semaphore_mem>>)
        %dma_wait3A_95 = arith.constant 0 : i32
        %dma_wait3A_96 = tpu.memref_slice %arg7[%dma_wait3A_95] : memref<10112xi32, #tpu.memory_space<vmem>> -> memref<6528xi32, #tpu.memory_space<vmem>>
        %dma_wait3A_97 = tpu.memref_slice %arg3[%add3A_88] : memref<640000xi32, #tpu.memory_space<hbm>> -> memref<6528xi32, #tpu.memory_space<hbm>>
        %dma_wait3A_98 = arith.constant 0 : i32
        %dma_wait3A_99 = tpu.memref_slice %arg7[%dma_wait3A_98] : memref<10112xi32, #tpu.memory_space<vmem>> -> memref<6528xi32, #tpu.memory_space<vmem>>
        %dma_wait3A_100 = tpu.memref_slice %arg3[%add3A_88] : memref<640000xi32, #tpu.memory_space<hbm>> -> memref<6528xi32, #tpu.memory_space<hbm>>
        tpu.wait_dma2 semaphore(%run_scoped3A : memref<!tpu.dma_semaphore, #tpu.memory_space<semaphore_mem>>) src(%dma_wait3A_100 : memref<6528xi32, #tpu.memory_space<hbm>>) dst(%dma_wait3A_99 : memref<6528xi32, #tpu.memory_space<vmem>>)
        tpu.yield
      }) : () -> ()
    } else {
    }
    %eq3A_12 = arith.constant 0 : i32
    %eq3A_13 = arith.cmpi eq, %arg1, %eq3A_12 : i32
    %convert_element_type3A_14 = arith.extui %eq3A_13 : i1 to i32
    %cond3A_15 = arith.constant 0 : i32
    %cond3A_16 = arith.cmpi ne, %convert_element_type3A_14, %cond3A_15 : i32
    scf.if %cond3A_16 {
      "tpu.region"() ({
        %run_scoped3A = tpu.sem_alloc : memref<!tpu.dma_semaphore, #tpu.memory_space<semaphore_mem>>
        tpu.enqueue_dma source(%arg4 : memref<10112x16xf32, #tpu.memory_space<hbm>>) target(%arg9 : memref<10112x16xf32, #tpu.memory_space<vmem_shared>>) target_semaphore(%run_scoped3A : memref<!tpu.dma_semaphore, #tpu.memory_space<semaphore_mem>>)
        tpu.wait_dma2 semaphore(%run_scoped3A : memref<!tpu.dma_semaphore, #tpu.memory_space<semaphore_mem>>) src(%arg4 : memref<10112x16xf32, #tpu.memory_space<hbm>>) dst(%arg9 : memref<10112x16xf32, #tpu.memory_space<vmem_shared>>)
        tpu.yield
      }) : () -> ()
    } else {
    }
    %barrier3A = arith.constant 0 : index
    tpu.barrier barrier_id(%barrier3A)
    %dma_start3A = arith.constant 0 : i32
    %dma_start3A_17 = arith.constant 0 : i32
    %dma_start3A_18 = arith.constant 0 : i32
    %dma_start3A_19 = tpu.memref_slice %arg8[%dma_start3A, %dma_start3A_17, %dma_start3A_18] : memref<6x128x16xf32, #tpu.memory_space<vmem>> -> memref<1x128x16xf32, #tpu.memory_space<vmem>>
    %dma_start3A_20 = tpu.memref_squeeze %dma_start3A_19 : memref<1x128x16xf32, #tpu.memory_space<vmem>> -> memref<128x16xf32, #tpu.memory_space<vmem>>
    %dma_start3A_21 = arith.constant 0 : i32
    %dma_start3A_22 = tpu.memref_slice %arg6[%dma_start3A_21] : memref<10112xi32, #tpu.memory_space<vmem>> -> memref<128xi32, #tpu.memory_space<vmem>>
    %dma_start3A_23 = arith.constant 0 : i32
    %dma_start3A_24 = arith.constant 0 : i32
    %dma_start3A_25 = tpu.memref_slice %arg2[%dma_start3A_23, %dma_start3A_24] : memref<10000x16xf32, #tpu.memory_space<hbm>> -> memref<10000x16xf32, #tpu.memory_space<hbm>>
    tpu.enqueue_indirect_dma source(%dma_start3A_25 : memref<10000x16xf32, #tpu.memory_space<hbm>>) target(%dma_start3A_20 : memref<128x16xf32, #tpu.memory_space<vmem>>) offsets(%dma_start3A_22 : memref<128xi32, #tpu.memory_space<vmem>>) semaphore(%arg10 : memref<!tpu.dma_semaphore, #tpu.memory_space<semaphore_mem>>)
    %dma_start3A_26 = arith.constant 1 : i32
    %dma_start3A_27 = arith.constant 0 : i32
    %dma_start3A_28 = arith.constant 0 : i32
    %dma_start3A_29 = tpu.memref_slice %arg8[%dma_start3A_26, %dma_start3A_27, %dma_start3A_28] : memref<6x128x16xf32, #tpu.memory_space<vmem>> -> memref<1x128x16xf32, #tpu.memory_space<vmem>>
    %dma_start3A_30 = tpu.memref_squeeze %dma_start3A_29 : memref<1x128x16xf32, #tpu.memory_space<vmem>> -> memref<128x16xf32, #tpu.memory_space<vmem>>
    %dma_start3A_31 = arith.constant 128 : i32
    %dma_start3A_32 = tpu.memref_slice %arg6[%dma_start3A_31] : memref<10112xi32, #tpu.memory_space<vmem>> -> memref<128xi32, #tpu.memory_space<vmem>>
    %dma_start3A_33 = arith.constant 0 : i32
    %dma_start3A_34 = arith.constant 0 : i32
    %dma_start3A_35 = tpu.memref_slice %arg2[%dma_start3A_33, %dma_start3A_34] : memref<10000x16xf32, #tpu.memory_space<hbm>> -> memref<10000x16xf32, #tpu.memory_space<hbm>>
    tpu.enqueue_indirect_dma source(%dma_start3A_35 : memref<10000x16xf32, #tpu.memory_space<hbm>>) target(%dma_start3A_30 : memref<128x16xf32, #tpu.memory_space<vmem>>) offsets(%dma_start3A_32 : memref<128xi32, #tpu.memory_space<vmem>>) semaphore(%arg10 : memref<!tpu.dma_semaphore, #tpu.memory_space<semaphore_mem>>)
    %dma_start3A_36 = arith.constant 2 : i32
    %dma_start3A_37 = arith.constant 0 : i32
    %dma_start3A_38 = arith.constant 0 : i32
    %dma_start3A_39 = tpu.memref_slice %arg8[%dma_start3A_36, %dma_start3A_37, %dma_start3A_38] : memref<6x128x16xf32, #tpu.memory_space<vmem>> -> memref<1x128x16xf32, #tpu.memory_space<vmem>>
    %dma_start3A_40 = tpu.memref_squeeze %dma_start3A_39 : memref<1x128x16xf32, #tpu.memory_space<vmem>> -> memref<128x16xf32, #tpu.memory_space<vmem>>
    %dma_start3A_41 = arith.constant 256 : i32
    %dma_start3A_42 = tpu.memref_slice %arg6[%dma_start3A_41] : memref<10112xi32, #tpu.memory_space<vmem>> -> memref<128xi32, #tpu.memory_space<vmem>>
    %dma_start3A_43 = arith.constant 0 : i32
    %dma_start3A_44 = arith.constant 0 : i32
    %dma_start3A_45 = tpu.memref_slice %arg2[%dma_start3A_43, %dma_start3A_44] : memref<10000x16xf32, #tpu.memory_space<hbm>> -> memref<10000x16xf32, #tpu.memory_space<hbm>>
    tpu.enqueue_indirect_dma source(%dma_start3A_45 : memref<10000x16xf32, #tpu.memory_space<hbm>>) target(%dma_start3A_40 : memref<128x16xf32, #tpu.memory_space<vmem>>) offsets(%dma_start3A_42 : memref<128xi32, #tpu.memory_space<vmem>>) semaphore(%arg10 : memref<!tpu.dma_semaphore, #tpu.memory_space<semaphore_mem>>)
    %dma_start3A_46 = arith.constant 3 : i32
    %dma_start3A_47 = arith.constant 0 : i32
    %dma_start3A_48 = arith.constant 0 : i32
    %dma_start3A_49 = tpu.memref_slice %arg8[%dma_start3A_46, %dma_start3A_47, %dma_start3A_48] : memref<6x128x16xf32, #tpu.memory_space<vmem>> -> memref<1x128x16xf32, #tpu.memory_space<vmem>>
    %dma_start3A_50 = tpu.memref_squeeze %dma_start3A_49 : memref<1x128x16xf32, #tpu.memory_space<vmem>> -> memref<128x16xf32, #tpu.memory_space<vmem>>
    %dma_start3A_51 = arith.constant 384 : i32
    %dma_start3A_52 = tpu.memref_slice %arg6[%dma_start3A_51] : memref<10112xi32, #tpu.memory_space<vmem>> -> memref<128xi32, #tpu.memory_space<vmem>>
    %dma_start3A_53 = arith.constant 0 : i32
    %dma_start3A_54 = arith.constant 0 : i32
    %dma_start3A_55 = tpu.memref_slice %arg2[%dma_start3A_53, %dma_start3A_54] : memref<10000x16xf32, #tpu.memory_space<hbm>> -> memref<10000x16xf32, #tpu.memory_space<hbm>>
    tpu.enqueue_indirect_dma source(%dma_start3A_55 : memref<10000x16xf32, #tpu.memory_space<hbm>>) target(%dma_start3A_50 : memref<128x16xf32, #tpu.memory_space<vmem>>) offsets(%dma_start3A_52 : memref<128xi32, #tpu.memory_space<vmem>>) semaphore(%arg10 : memref<!tpu.dma_semaphore, #tpu.memory_space<semaphore_mem>>)
    %while3A = arith.constant 0 : i32
    %while3A_56 = arith.constant 0 : i32
    %while3A_57 = arith.subi %select_n3A, %while3A_56 : i32
    %while3A_58 = arith.addi %while3A_56, %while3A_57 : i32
    %while3A_59 = arith.constant 1 : i32
    %while3A_60 = arith.divsi %while3A_57, %while3A_59 : i32
    %while3A_61 = arith.muli %while3A_60, %while3A_59 : i32
    %while3A_62 = arith.addi %while3A_56, %while3A_61 : i32
    %while3A_63 = arith.constant 1 : i32
    scf.for %while3A_87 = %while3A_56 to %while3A_62 step %while3A_63  : i32 {
      %jit3A_88 = arith.constant 6 : i32
      %eq3A_89 = arith.constant 0 : i32
      %eq3A_90 = arith.cmpi eq, %jit3A_88, %eq3A_89 : i32
      %jit3A_91 = arith.constant 1 : i32
      %select_n3A_92 = arith.select %eq3A_90, %jit3A_91, %jit3A_88 : i32
      %rem3A = arith.remsi %while3A_87, %select_n3A_92 : i32
      %ne3A = arith.constant 0 : i32
      %ne3A_93 = arith.cmpi ne, %rem3A, %ne3A : i32
      %lt3A_94 = arith.constant 0 : i32
      %lt3A_95 = arith.cmpi slt, %rem3A, %lt3A_94 : i32
      %lt3A_96 = arith.constant 0 : i32
      %lt3A_97 = arith.cmpi slt, %select_n3A_92, %lt3A_96 : i32
      %ne3A_98 = arith.xori %lt3A_95, %lt3A_97 : i1
      %and3A = arith.andi %ne3A_98, %ne3A_93 : i1
      %add3A_99 = arith.addi %rem3A, %select_n3A_92 : i32
      %select_n3A_100 = arith.select %and3A, %add3A_99, %rem3A : i32
      %mul3A_101 = arith.constant 128 : i32
      %mul3A_102 = arith.muli %while3A_87, %mul3A_101 : i32
      %dma_wait3A_103 = arith.constant 0 : i32
      %dma_wait3A_104 = arith.constant 0 : i32
      %dma_wait3A_105 = tpu.memref_slice %arg8[%select_n3A_100, %dma_wait3A_103, %dma_wait3A_104] : memref<6x128x16xf32, #tpu.memory_space<vmem>> -> memref<1x128x16xf32, #tpu.memory_space<vmem>>
      %dma_wait3A_106 = tpu.memref_squeeze %dma_wait3A_105 : memref<1x128x16xf32, #tpu.memory_space<vmem>> -> memref<128x16xf32, #tpu.memory_space<vmem>>
      %dma_wait3A_107 = tpu.memref_slice %arg6[%mul3A_102] : memref<10112xi32, #tpu.memory_space<vmem>> -> memref<128xi32, #tpu.memory_space<vmem>>
      %dma_wait3A_108 = arith.constant 0 : i32
      %dma_wait3A_109 = arith.constant 0 : i32
      %dma_wait3A_110 = tpu.memref_slice %arg2[%dma_wait3A_108, %dma_wait3A_109] : memref<10000x16xf32, #tpu.memory_space<hbm>> -> memref<10000x16xf32, #tpu.memory_space<hbm>>
      tpu.wait_indirect_dma semaphore(%arg10 : memref<!tpu.dma_semaphore, #tpu.memory_space<semaphore_mem>>) src(%dma_wait3A_110 : memref<10000x16xf32, #tpu.memory_space<hbm>>) dst(%dma_wait3A_106 : memref<128x16xf32, #tpu.memory_space<vmem>>)
      %mul3A_111 = arith.constant 128 : i32
      %mul3A_112 = arith.muli %while3A_87, %mul3A_111 : i32
      %dma_start3A_113 = arith.constant 0 : i32
      %dma_start3A_114 = arith.constant 0 : i32
      %dma_start3A_115 = tpu.memref_slice %arg8[%select_n3A_100, %dma_start3A_113, %dma_start3A_114] : memref<6x128x16xf32, #tpu.memory_space<vmem>> -> memref<1x128x16xf32, #tpu.memory_space<vmem>>
      %dma_start3A_116 = tpu.memref_squeeze %dma_start3A_115 : memref<1x128x16xf32, #tpu.memory_space<vmem>> -> memref<128x16xf32, #tpu.memory_space<vmem>>
      %dma_start3A_117 = tpu.memref_slice %arg7[%mul3A_112] : memref<10112xi32, #tpu.memory_space<vmem>> -> memref<128xi32, #tpu.memory_space<vmem>>
      %dma_start3A_118 = arith.constant 0 : i32
      %dma_start3A_119 = arith.constant 0 : i32
      %dma_start3A_120 = tpu.memref_slice %arg9[%dma_start3A_118, %dma_start3A_119] : memref<10112x16xf32, #tpu.memory_space<vmem_shared>> -> memref<10112x16xf32, #tpu.memory_space<vmem_shared>>
      tpu.enqueue_indirect_dma source(%dma_start3A_116 : memref<128x16xf32, #tpu.memory_space<vmem>>) target(%dma_start3A_120 : memref<10112x16xf32, #tpu.memory_space<vmem_shared>>) offsets(%dma_start3A_117 : memref<128xi32, #tpu.memory_space<vmem>>) semaphore(%arg11 : memref<!tpu.dma_semaphore, #tpu.memory_space<semaphore_mem>>) {add = true}
      %ge3A = arith.constant 2 : i32
      %ge3A_121 = arith.cmpi sge, %while3A_87, %ge3A : i32
      %convert_element_type3A_122 = arith.extui %ge3A_121 : i1 to i32
      %cond3A_123 = arith.constant 0 : i32
      %cond3A_124 = arith.cmpi ne, %convert_element_type3A_122, %cond3A_123 : i32
      scf.if %cond3A_124 {
        %dma_wait3A_131 = arith.constant 0 : i32
        %dma_wait3A_132 = arith.constant 0 : i32
        %dma_wait3A_133 = arith.constant 0 : i32
        %dma_wait3A_134 = tpu.memref_slice %arg8[%dma_wait3A_131, %dma_wait3A_132, %dma_wait3A_133] : memref<6x128x16xf32, #tpu.memory_space<vmem>> -> memref<1x128x16xf32, #tpu.memory_space<vmem>>
        %dma_wait3A_135 = tpu.memref_squeeze %dma_wait3A_134 : memref<1x128x16xf32, #tpu.memory_space<vmem>> -> memref<128x16xf32, #tpu.memory_space<vmem>>
        %dma_wait3A_136 = arith.constant 0 : i32
        %dma_wait3A_137 = tpu.memref_slice %arg7[%dma_wait3A_136] : memref<10112xi32, #tpu.memory_space<vmem>> -> memref<128xi32, #tpu.memory_space<vmem>>
        %dma_wait3A_138 = arith.constant 0 : i32
        %dma_wait3A_139 = arith.constant 0 : i32
        %dma_wait3A_140 = tpu.memref_slice %arg9[%dma_wait3A_138, %dma_wait3A_139] : memref<10112x16xf32, #tpu.memory_space<vmem_shared>> -> memref<10112x16xf32, #tpu.memory_space<vmem_shared>>
        tpu.wait_indirect_dma semaphore(%arg11 : memref<!tpu.dma_semaphore, #tpu.memory_space<semaphore_mem>>) src(%dma_wait3A_135 : memref<128x16xf32, #tpu.memory_space<vmem>>) dst(%dma_wait3A_140 : memref<10112x16xf32, #tpu.memory_space<vmem_shared>>)
      } else {
      }
      %add3A_125 = arith.constant 4 : i32
      %add3A_126 = arith.addi %while3A_87, %add3A_125 : i32
      %lt3A_127 = arith.cmpi slt, %add3A_126, %select_n3A : i32
      %convert_element_type3A_128 = arith.extui %lt3A_127 : i1 to i32
      %cond3A_129 = arith.constant 0 : i32
      %cond3A_130 = arith.cmpi ne, %convert_element_type3A_128, %cond3A_129 : i32
      scf.if %cond3A_130 {
        %add3A_131 = arith.constant 4 : i32
        %add3A_132 = arith.addi %while3A_87, %add3A_131 : i32
        %mul3A_133 = arith.constant 128 : i32
        %mul3A_134 = arith.muli %add3A_132, %mul3A_133 : i32
        %jit3A_135 = arith.constant 6 : i32
        %eq3A_136 = arith.constant 0 : i32
        %eq3A_137 = arith.cmpi eq, %jit3A_135, %eq3A_136 : i32
        %jit3A_138 = arith.constant 1 : i32
        %select_n3A_139 = arith.select %eq3A_137, %jit3A_138, %jit3A_135 : i32
        %rem3A_140 = arith.remsi %add3A_132, %select_n3A_139 : i32
        %ne3A_141 = arith.constant 0 : i32
        %ne3A_142 = arith.cmpi ne, %rem3A_140, %ne3A_141 : i32
        %lt3A_143 = arith.constant 0 : i32
        %lt3A_144 = arith.cmpi slt, %rem3A_140, %lt3A_143 : i32
        %lt3A_145 = arith.constant 0 : i32
        %lt3A_146 = arith.cmpi slt, %select_n3A_139, %lt3A_145 : i32
        %ne3A_147 = arith.xori %lt3A_144, %lt3A_146 : i1
        %and3A_148 = arith.andi %ne3A_147, %ne3A_142 : i1
        %add3A_149 = arith.addi %rem3A_140, %select_n3A_139 : i32
        %select_n3A_150 = arith.select %and3A_148, %add3A_149, %rem3A_140 : i32
        %dma_start3A_151 = arith.constant 0 : i32
        %dma_start3A_152 = arith.constant 0 : i32
        %dma_start3A_153 = tpu.memref_slice %arg8[%select_n3A_150, %dma_start3A_151, %dma_start3A_152] : memref<6x128x16xf32, #tpu.memory_space<vmem>> -> memref<1x128x16xf32, #tpu.memory_space<vmem>>
        %dma_start3A_154 = tpu.memref_squeeze %dma_start3A_153 : memref<1x128x16xf32, #tpu.memory_space<vmem>> -> memref<128x16xf32, #tpu.memory_space<vmem>>
        %dma_start3A_155 = tpu.memref_slice %arg6[%mul3A_134] : memref<10112xi32, #tpu.memory_space<vmem>> -> memref<128xi32, #tpu.memory_space<vmem>>
        %dma_start3A_156 = arith.constant 0 : i32
        %dma_start3A_157 = arith.constant 0 : i32
        %dma_start3A_158 = tpu.memref_slice %arg2[%dma_start3A_156, %dma_start3A_157] : memref<10000x16xf32, #tpu.memory_space<hbm>> -> memref<10000x16xf32, #tpu.memory_space<hbm>>
        tpu.enqueue_indirect_dma source(%dma_start3A_158 : memref<10000x16xf32, #tpu.memory_space<hbm>>) target(%dma_start3A_154 : memref<128x16xf32, #tpu.memory_space<vmem>>) offsets(%dma_start3A_155 : memref<128xi32, #tpu.memory_space<vmem>>) semaphore(%arg10 : memref<!tpu.dma_semaphore, #tpu.memory_space<semaphore_mem>>)
      } else {
      }
    }
    %while3A_64 = arith.constant 1 : i32
    scf.for %while3A_87 = %while3A_62 to %while3A_58 step %while3A_64  : i32 {
      %jit3A_88 = arith.constant 6 : i32
      %eq3A_89 = arith.constant 0 : i32
      %eq3A_90 = arith.cmpi eq, %jit3A_88, %eq3A_89 : i32
      %jit3A_91 = arith.constant 1 : i32
      %select_n3A_92 = arith.select %eq3A_90, %jit3A_91, %jit3A_88 : i32
      %rem3A = arith.remsi %while3A_87, %select_n3A_92 : i32
      %ne3A = arith.constant 0 : i32
      %ne3A_93 = arith.cmpi ne, %rem3A, %ne3A : i32
      %lt3A_94 = arith.constant 0 : i32
      %lt3A_95 = arith.cmpi slt, %rem3A, %lt3A_94 : i32
      %lt3A_96 = arith.constant 0 : i32
      %lt3A_97 = arith.cmpi slt, %select_n3A_92, %lt3A_96 : i32
      %ne3A_98 = arith.xori %lt3A_95, %lt3A_97 : i1
      %and3A = arith.andi %ne3A_98, %ne3A_93 : i1
      %add3A_99 = arith.addi %rem3A, %select_n3A_92 : i32
      %select_n3A_100 = arith.select %and3A, %add3A_99, %rem3A : i32
      %mul3A_101 = arith.constant 128 : i32
      %mul3A_102 = arith.muli %while3A_87, %mul3A_101 : i32
      %dma_wait3A_103 = arith.constant 0 : i32
      %dma_wait3A_104 = arith.constant 0 : i32
      %dma_wait3A_105 = tpu.memref_slice %arg8[%select_n3A_100, %dma_wait3A_103, %dma_wait3A_104] : memref<6x128x16xf32, #tpu.memory_space<vmem>> -> memref<1x128x16xf32, #tpu.memory_space<vmem>>
      %dma_wait3A_106 = tpu.memref_squeeze %dma_wait3A_105 : memref<1x128x16xf32, #tpu.memory_space<vmem>> -> memref<128x16xf32, #tpu.memory_space<vmem>>
      %dma_wait3A_107 = tpu.memref_slice %arg6[%mul3A_102] : memref<10112xi32, #tpu.memory_space<vmem>> -> memref<128xi32, #tpu.memory_space<vmem>>
      %dma_wait3A_108 = arith.constant 0 : i32
      %dma_wait3A_109 = arith.constant 0 : i32
      %dma_wait3A_110 = tpu.memref_slice %arg2[%dma_wait3A_108, %dma_wait3A_109] : memref<10000x16xf32, #tpu.memory_space<hbm>> -> memref<10000x16xf32, #tpu.memory_space<hbm>>
      tpu.wait_indirect_dma semaphore(%arg10 : memref<!tpu.dma_semaphore, #tpu.memory_space<semaphore_mem>>) src(%dma_wait3A_110 : memref<10000x16xf32, #tpu.memory_space<hbm>>) dst(%dma_wait3A_106 : memref<128x16xf32, #tpu.memory_space<vmem>>)
      %mul3A_111 = arith.constant 128 : i32
      %mul3A_112 = arith.muli %while3A_87, %mul3A_111 : i32
      %dma_start3A_113 = arith.constant 0 : i32
      %dma_start3A_114 = arith.constant 0 : i32
      %dma_start3A_115 = tpu.memref_slice %arg8[%select_n3A_100, %dma_start3A_113, %dma_start3A_114] : memref<6x128x16xf32, #tpu.memory_space<vmem>> -> memref<1x128x16xf32, #tpu.memory_space<vmem>>
      %dma_start3A_116 = tpu.memref_squeeze %dma_start3A_115 : memref<1x128x16xf32, #tpu.memory_space<vmem>> -> memref<128x16xf32, #tpu.memory_space<vmem>>
      %dma_start3A_117 = tpu.memref_slice %arg7[%mul3A_112] : memref<10112xi32, #tpu.memory_space<vmem>> -> memref<128xi32, #tpu.memory_space<vmem>>
      %dma_start3A_118 = arith.constant 0 : i32
      %dma_start3A_119 = arith.constant 0 : i32
      %dma_start3A_120 = tpu.memref_slice %arg9[%dma_start3A_118, %dma_start3A_119] : memref<10112x16xf32, #tpu.memory_space<vmem_shared>> -> memref<10112x16xf32, #tpu.memory_space<vmem_shared>>
      tpu.enqueue_indirect_dma source(%dma_start3A_116 : memref<128x16xf32, #tpu.memory_space<vmem>>) target(%dma_start3A_120 : memref<10112x16xf32, #tpu.memory_space<vmem_shared>>) offsets(%dma_start3A_117 : memref<128xi32, #tpu.memory_space<vmem>>) semaphore(%arg11 : memref<!tpu.dma_semaphore, #tpu.memory_space<semaphore_mem>>) {add = true}
      %ge3A = arith.constant 2 : i32
      %ge3A_121 = arith.cmpi sge, %while3A_87, %ge3A : i32
      %convert_element_type3A_122 = arith.extui %ge3A_121 : i1 to i32
      %cond3A_123 = arith.constant 0 : i32
      %cond3A_124 = arith.cmpi ne, %convert_element_type3A_122, %cond3A_123 : i32
      scf.if %cond3A_124 {
        %dma_wait3A_131 = arith.constant 0 : i32
        %dma_wait3A_132 = arith.constant 0 : i32
        %dma_wait3A_133 = arith.constant 0 : i32
        %dma_wait3A_134 = tpu.memref_slice %arg8[%dma_wait3A_131, %dma_wait3A_132, %dma_wait3A_133] : memref<6x128x16xf32, #tpu.memory_space<vmem>> -> memref<1x128x16xf32, #tpu.memory_space<vmem>>
        %dma_wait3A_135 = tpu.memref_squeeze %dma_wait3A_134 : memref<1x128x16xf32, #tpu.memory_space<vmem>> -> memref<128x16xf32, #tpu.memory_space<vmem>>
        %dma_wait3A_136 = arith.constant 0 : i32
        %dma_wait3A_137 = tpu.memref_slice %arg7[%dma_wait3A_136] : memref<10112xi32, #tpu.memory_space<vmem>> -> memref<128xi32, #tpu.memory_space<vmem>>
        %dma_wait3A_138 = arith.constant 0 : i32
        %dma_wait3A_139 = arith.constant 0 : i32
        %dma_wait3A_140 = tpu.memref_slice %arg9[%dma_wait3A_138, %dma_wait3A_139] : memref<10112x16xf32, #tpu.memory_space<vmem_shared>> -> memref<10112x16xf32, #tpu.memory_space<vmem_shared>>
        tpu.wait_indirect_dma semaphore(%arg11 : memref<!tpu.dma_semaphore, #tpu.memory_space<semaphore_mem>>) src(%dma_wait3A_135 : memref<128x16xf32, #tpu.memory_space<vmem>>) dst(%dma_wait3A_140 : memref<10112x16xf32, #tpu.memory_space<vmem_shared>>)
      } else {
      }
      %add3A_125 = arith.constant 4 : i32
      %add3A_126 = arith.addi %while3A_87, %add3A_125 : i32
      %lt3A_127 = arith.cmpi slt, %add3A_126, %select_n3A : i32
      %convert_element_type3A_128 = arith.extui %lt3A_127 : i1 to i32
      %cond3A_129 = arith.constant 0 : i32
      %cond3A_130 = arith.cmpi ne, %convert_element_type3A_128, %cond3A_129 : i32
      scf.if %cond3A_130 {
        %add3A_131 = arith.constant 4 : i32
        %add3A_132 = arith.addi %while3A_87, %add3A_131 : i32
        %mul3A_133 = arith.constant 128 : i32
        %mul3A_134 = arith.muli %add3A_132, %mul3A_133 : i32
        %jit3A_135 = arith.constant 6 : i32
        %eq3A_136 = arith.constant 0 : i32
        %eq3A_137 = arith.cmpi eq, %jit3A_135, %eq3A_136 : i32
        %jit3A_138 = arith.constant 1 : i32
        %select_n3A_139 = arith.select %eq3A_137, %jit3A_138, %jit3A_135 : i32
        %rem3A_140 = arith.remsi %add3A_132, %select_n3A_139 : i32
        %ne3A_141 = arith.constant 0 : i32
        %ne3A_142 = arith.cmpi ne, %rem3A_140, %ne3A_141 : i32
        %lt3A_143 = arith.constant 0 : i32
        %lt3A_144 = arith.cmpi slt, %rem3A_140, %lt3A_143 : i32
        %lt3A_145 = arith.constant 0 : i32
        %lt3A_146 = arith.cmpi slt, %select_n3A_139, %lt3A_145 : i32
        %ne3A_147 = arith.xori %lt3A_144, %lt3A_146 : i1
        %and3A_148 = arith.andi %ne3A_147, %ne3A_142 : i1
        %add3A_149 = arith.addi %rem3A_140, %select_n3A_139 : i32
        %select_n3A_150 = arith.select %and3A_148, %add3A_149, %rem3A_140 : i32
        %dma_start3A_151 = arith.constant 0 : i32
        %dma_start3A_152 = arith.constant 0 : i32
        %dma_start3A_153 = tpu.memref_slice %arg8[%select_n3A_150, %dma_start3A_151, %dma_start3A_152] : memref<6x128x16xf32, #tpu.memory_space<vmem>> -> memref<1x128x16xf32, #tpu.memory_space<vmem>>
        %dma_start3A_154 = tpu.memref_squeeze %dma_start3A_153 : memref<1x128x16xf32, #tpu.memory_space<vmem>> -> memref<128x16xf32, #tpu.memory_space<vmem>>
        %dma_start3A_155 = tpu.memref_slice %arg6[%mul3A_134] : memref<10112xi32, #tpu.memory_space<vmem>> -> memref<128xi32, #tpu.memory_space<vmem>>
        %dma_start3A_156 = arith.constant 0 : i32
        %dma_start3A_157 = arith.constant 0 : i32
        %dma_start3A_158 = tpu.memref_slice %arg2[%dma_start3A_156, %dma_start3A_157] : memref<10000x16xf32, #tpu.memory_space<hbm>> -> memref<10000x16xf32, #tpu.memory_space<hbm>>
        tpu.enqueue_indirect_dma source(%dma_start3A_158 : memref<10000x16xf32, #tpu.memory_space<hbm>>) target(%dma_start3A_154 : memref<128x16xf32, #tpu.memory_space<vmem>>) offsets(%dma_start3A_155 : memref<128xi32, #tpu.memory_space<vmem>>) semaphore(%arg10 : memref<!tpu.dma_semaphore, #tpu.memory_space<semaphore_mem>>)
      } else {
      }
    }
    %dma_wait3A = arith.constant 0 : i32
    %dma_wait3A_65 = arith.constant 0 : i32
    %dma_wait3A_66 = arith.constant 0 : i32
    %dma_wait3A_67 = tpu.memref_slice %arg8[%dma_wait3A, %dma_wait3A_65, %dma_wait3A_66] : memref<6x128x16xf32, #tpu.memory_space<vmem>> -> memref<1x128x16xf32, #tpu.memory_space<vmem>>
    %dma_wait3A_68 = tpu.memref_squeeze %dma_wait3A_67 : memref<1x128x16xf32, #tpu.memory_space<vmem>> -> memref<128x16xf32, #tpu.memory_space<vmem>>
    %dma_wait3A_69 = arith.constant 0 : i32
    %dma_wait3A_70 = tpu.memref_slice %arg7[%dma_wait3A_69] : memref<10112xi32, #tpu.memory_space<vmem>> -> memref<128xi32, #tpu.memory_space<vmem>>
    %dma_wait3A_71 = arith.constant 0 : i32
    %dma_wait3A_72 = arith.constant 0 : i32
    %dma_wait3A_73 = tpu.memref_slice %arg9[%dma_wait3A_71, %dma_wait3A_72] : memref<10112x16xf32, #tpu.memory_space<vmem_shared>> -> memref<10112x16xf32, #tpu.memory_space<vmem_shared>>
    tpu.wait_indirect_dma semaphore(%arg11 : memref<!tpu.dma_semaphore, #tpu.memory_space<semaphore_mem>>) src(%dma_wait3A_68 : memref<128x16xf32, #tpu.memory_space<vmem>>) dst(%dma_wait3A_73 : memref<10112x16xf32, #tpu.memory_space<vmem_shared>>)
    %dma_wait3A_74 = arith.constant 0 : i32
    %dma_wait3A_75 = arith.constant 0 : i32
    %dma_wait3A_76 = arith.constant 0 : i32
    %dma_wait3A_77 = tpu.memref_slice %arg8[%dma_wait3A_74, %dma_wait3A_75, %dma_wait3A_76] : memref<6x128x16xf32, #tpu.memory_space<vmem>> -> memref<1x128x16xf32, #tpu.memory_space<vmem>>
    %dma_wait3A_78 = tpu.memref_squeeze %dma_wait3A_77 : memref<1x128x16xf32, #tpu.memory_space<vmem>> -> memref<128x16xf32, #tpu.memory_space<vmem>>
    %dma_wait3A_79 = arith.constant 0 : i32
    %dma_wait3A_80 = tpu.memref_slice %arg7[%dma_wait3A_79] : memref<10112xi32, #tpu.memory_space<vmem>> -> memref<128xi32, #tpu.memory_space<vmem>>
    %dma_wait3A_81 = arith.constant 0 : i32
    %dma_wait3A_82 = arith.constant 0 : i32
    %dma_wait3A_83 = tpu.memref_slice %arg9[%dma_wait3A_81, %dma_wait3A_82] : memref<10112x16xf32, #tpu.memory_space<vmem_shared>> -> memref<10112x16xf32, #tpu.memory_space<vmem_shared>>
    tpu.wait_indirect_dma semaphore(%arg11 : memref<!tpu.dma_semaphore, #tpu.memory_space<semaphore_mem>>) src(%dma_wait3A_78 : memref<128x16xf32, #tpu.memory_space<vmem>>) dst(%dma_wait3A_83 : memref<10112x16xf32, #tpu.memory_space<vmem_shared>>)
    %barrier3A_84 = arith.constant 0 : index
    tpu.barrier barrier_id(%barrier3A_84)
    %mul3A_85 = arith.constant 632 : i32
    %mul3A_86 = arith.muli %arg1, %mul3A_85 : i32
    "tpu.region"() ({
      %run_scoped3A = tpu.sem_alloc : memref<!tpu.dma_semaphore, #tpu.memory_space<semaphore_mem>>
      %dma_start3A_87 = arith.constant 0 : i32
      %dma_start3A_88 = arith.constant 0 : i32
      %dma_start3A_89 = tpu.memref_slice %arg5[%arg0, %dma_start3A_87, %dma_start3A_88] : memref<2x10112x16xf32, #tpu.memory_space<hbm>> -> memref<1x10112x16xf32, #tpu.memory_space<hbm>>
      %dma_start3A_90 = tpu.memref_squeeze %dma_start3A_89 : memref<1x10112x16xf32, #tpu.memory_space<hbm>> -> memref<10112x16xf32, #tpu.memory_space<hbm>>
      %dma_start3A_91 = arith.constant 0 : i32
      %dma_start3A_92 = tpu.memref_slice %dma_start3A_90[%mul3A_86, %dma_start3A_91] : memref<10112x16xf32, #tpu.memory_space<hbm>> -> memref<632x16xf32, #tpu.memory_space<hbm>>
      %dma_start3A_93 = arith.constant 0 : i32
      %dma_start3A_94 = tpu.memref_slice %arg9[%mul3A_86, %dma_start3A_93] : memref<10112x16xf32, #tpu.memory_space<vmem_shared>> -> memref<632x16xf32, #tpu.memory_space<vmem_shared>>
      tpu.enqueue_dma source(%dma_start3A_94 : memref<632x16xf32, #tpu.memory_space<vmem_shared>>) target(%dma_start3A_92 : memref<632x16xf32, #tpu.memory_space<hbm>>) target_semaphore(%run_scoped3A : memref<!tpu.dma_semaphore, #tpu.memory_space<semaphore_mem>>)
      %dma_wait3A_95 = arith.constant 0 : i32
      %dma_wait3A_96 = arith.constant 0 : i32
      %dma_wait3A_97 = tpu.memref_slice %arg5[%arg0, %dma_wait3A_95, %dma_wait3A_96] : memref<2x10112x16xf32, #tpu.memory_space<hbm>> -> memref<1x10112x16xf32, #tpu.memory_space<hbm>>
      %dma_wait3A_98 = tpu.memref_squeeze %dma_wait3A_97 : memref<1x10112x16xf32, #tpu.memory_space<hbm>> -> memref<10112x16xf32, #tpu.memory_space<hbm>>
      %dma_wait3A_99 = arith.constant 0 : i32
      %dma_wait3A_100 = tpu.memref_slice %dma_wait3A_98[%mul3A_86, %dma_wait3A_99] : memref<10112x16xf32, #tpu.memory_space<hbm>> -> memref<632x16xf32, #tpu.memory_space<hbm>>
      %dma_wait3A_101 = arith.constant 0 : i32
      %dma_wait3A_102 = tpu.memref_slice %arg9[%mul3A_86, %dma_wait3A_101] : memref<10112x16xf32, #tpu.memory_space<vmem_shared>> -> memref<632x16xf32, #tpu.memory_space<vmem_shared>>
      tpu.wait_dma2 semaphore(%run_scoped3A : memref<!tpu.dma_semaphore, #tpu.memory_space<semaphore_mem>>) src(%dma_wait3A_102 : memref<632x16xf32, #tpu.memory_space<vmem_shared>>) dst(%dma_wait3A_100 : memref<632x16xf32, #tpu.memory_space<hbm>>)
      tpu.yield
    }) : () -> ()
    return
  }
}

module attributes {stable_mosaic.version = 14 : i64} {
  func.func @_k1_body(%arg0: i32, %arg1: memref<5000x128xf32, #tpu.memory_space<vmem>>, %arg2: memref<128x16xf32, #tpu.memory_space<vmem>>, %arg3: memref<5000x16xf32, #tpu.memory_space<vmem>>) attributes {dimension_semantics = [#tpu.dimension_semantics<arbitrary>], iteration_bounds = array<i64: 2>, scalar_prefetch = 0 : i64, scratch_operands = 0 : i64, tpu.core_type = #tpu.core_type<tc>, window_params = [{transform_indices = @transform_0, window_bounds = array<i64: 5000, 128>}, {pipeline_mode = #tpu.pipeline_mode<synchronous>, transform_indices = @transform_1, window_bounds = array<i64: 128, 16>}, {transform_indices = @transform_2, window_bounds = array<i64: 5000, 16>}]} {
    %get3A = arith.constant 0 : index
    %get3A_0 = arith.constant 0 : index
    %get3A_1 = vector.load %arg1[%get3A, %get3A_0] : memref<5000x128xf32, #tpu.memory_space<vmem>>, vector<5000x128xf32>
    %get3A_2 = arith.constant 0 : index
    %get3A_3 = arith.constant 0 : index
    %get3A_4 = vector.load %arg2[%get3A_2, %get3A_3] : memref<128x16xf32, #tpu.memory_space<vmem>>, vector<128x16xf32>
    %dot_general3A = arith.constant dense<0.000000e+00> : vector<5000x16xf32>
    %dot_general3A_5 = tpu.matmul %get3A_1, %get3A_4, %dot_general3A {dimension_numbers = #tpu.dot_dimension_numbers<[1], [0], [0], [1], [0, 0, 1, 1], [], []>, transpose_lhs_hint = false} : vector<5000x128xf32>, vector<128x16xf32>, vector<5000x16xf32> -> vector<5000x16xf32>
    %swap3A = arith.constant 0 : index
    %swap3A_6 = arith.constant 0 : index
    %swap3A_7 = vector.load %arg3[%swap3A, %swap3A_6] : memref<5000x16xf32, #tpu.memory_space<vmem>>, vector<5000x16xf32>
    tpu.vector_store %arg3[%swap3A, %swap3A_6], %dot_general3A_5 {strides = array<i32>} : memref<5000x16xf32, #tpu.memory_space<vmem>>, vector<5000x16xf32>,
    return
  }
  func.func @transform_0(%arg0: i32) -> (i32, i32) {
    %c0_i32 = arith.constant 0 : i32
    %c0_i32_0 = arith.constant 0 : i32
    return %arg0, %c0_i32 : i32, i32
  }
  func.func @transform_1(%arg0: i32) -> (i32, i32) {
    %c0_i32 = arith.constant 0 : i32
    %c0_i32_0 = arith.constant 0 : i32
    %c0_i32_1 = arith.constant 0 : i32
    return %c0_i32, %c0_i32_0 : i32, i32
  }
  func.func @transform_2(%arg0: i32) -> (i32, i32) {
    %c0_i32 = arith.constant 0 : i32
    %c0_i32_0 = arith.constant 0 : i32
    return %arg0, %c0_i32 : i32, i32
  }
}

module attributes {stable_mosaic.version = 14 : i64} {
  func.func @_k3_body(%arg0: i32, %arg1: memref<5000x16xf32, #tpu.memory_space<vmem>>, %arg2: memref<2x5000x16xf32, #tpu.memory_space<vmem>>, %arg3: memref<1x16xf32, #tpu.memory_space<vmem>>, %arg4: memref<16x16xf32, #tpu.memory_space<vmem>>, %arg5: memref<1x1x5000xi32, #tpu.memory_space<vmem>>, %arg6: memref<5000x16xf32, #tpu.memory_space<vmem>>, %arg7: memref<64x16xf32, #tpu.memory_space<vmem>>) attributes {dimension_semantics = [#tpu.dimension_semantics<arbitrary>], iteration_bounds = array<i64: 2>, scalar_prefetch = 0 : i64, scratch_operands = 0 : i64, tpu.core_type = #tpu.core_type<tc>, window_params = [{transform_indices = @transform_0, window_bounds = array<i64: 5000, 16>}, {transform_indices = @transform_1, window_bounds = array<i64: 2, 5000, 16>}, {pipeline_mode = #tpu.pipeline_mode<synchronous>, transform_indices = @transform_2, window_bounds = array<i64: 1, 16>}, {pipeline_mode = #tpu.pipeline_mode<synchronous>, transform_indices = @transform_3, window_bounds = array<i64: 16, 16>}, {transform_indices = @transform_4, window_bounds = array<i64: 1, 1, 5000>}, {transform_indices = @transform_5, window_bounds = array<i64: 5000, 16>}, {pipeline_mode = #tpu.pipeline_mode<synchronous>, transform_indices = @transform_6, window_bounds = array<i64: 64, 16>}]} {
    %get3A = arith.constant 0 : index
    %get3A_0 = arith.constant 0 : index
    %get3A_1 = vector.load %arg1[%get3A, %get3A_0] : memref<5000x16xf32, #tpu.memory_space<vmem>>, vector<5000x16xf32>
    %get3A_2 = arith.constant 0 : index
    %get3A_3 = arith.constant 0 : index
    %get3A_4 = arith.constant 0 : index
    %get3A_5 = vector.load %arg2[%get3A_2, %get3A_3, %get3A_4] : memref<2x5000x16xf32, #tpu.memory_space<vmem>>, vector<1x5000x16xf32>
    %get3A_6 = vector.shape_cast %get3A_5 : vector<1x5000x16xf32> to vector<5000x16xf32>
    %add3A = arith.addf %get3A_1, %get3A_6 : vector<5000x16xf32>
    %get3A_7 = arith.constant 1 : index
    %get3A_8 = arith.constant 0 : index
    %get3A_9 = arith.constant 0 : index
    %get3A_10 = vector.load %arg2[%get3A_7, %get3A_8, %get3A_9] : memref<2x5000x16xf32, #tpu.memory_space<vmem>>, vector<1x5000x16xf32>
    %get3A_11 = vector.shape_cast %get3A_10 : vector<1x5000x16xf32> to vector<5000x16xf32>
    %add3A_12 = arith.addf %add3A, %get3A_11 : vector<5000x16xf32>
    %get3A_13 = arith.constant 0 : index
    %get3A_14 = arith.constant 0 : index
    %get3A_15 = vector.load %arg3[%get3A_13, %get3A_14] : memref<1x16xf32, #tpu.memory_space<vmem>>, vector<1x16xf32>
    %add3A_16 = vector.broadcast %get3A_15 : vector<1x16xf32> to vector<5000x16xf32>
    %add3A_17 = arith.addf %add3A_12, %add3A_16 : vector<5000x16xf32>
    %max3A = arith.constant 0.000000e+00 : f32
    %max3A_18 = vector.broadcast %max3A : f32 to vector<5000x16xf32>
    %max3A_19 = arith.maximumf %add3A_17, %max3A_18 : vector<5000x16xf32>
    %get3A_20 = arith.constant 0 : index
    %get3A_21 = arith.constant 0 : index
    %get3A_22 = vector.load %arg4[%get3A_20, %get3A_21] : memref<16x16xf32, #tpu.memory_space<vmem>>, vector<16x16xf32>
    %dot_general3A = arith.constant dense<0.000000e+00> : vector<5000x16xf32>
    %dot_general3A_23 = tpu.matmul %max3A_19, %get3A_22, %dot_general3A {dimension_numbers = #tpu.dot_dimension_numbers<[1], [0], [0], [1], [0, 0, 1, 1], [], []>, transpose_lhs_hint = false} : vector<5000x16xf32>, vector<16x16xf32>, vector<5000x16xf32> -> vector<5000x16xf32>
    %swap3A = arith.constant 0 : index
    %swap3A_24 = arith.constant 0 : index
    %swap3A_25 = vector.load %arg6[%swap3A, %swap3A_24] : memref<5000x16xf32, #tpu.memory_space<vmem>>, vector<5000x16xf32>
    tpu.vector_store %arg6[%swap3A, %swap3A_24], %dot_general3A_23 {strides = array<i32>} : memref<5000x16xf32, #tpu.memory_space<vmem>>, vector<5000x16xf32>,
    %get3A_26 = arith.constant 0 : index
    %get3A_27 = arith.constant 0 : index
    %get3A_28 = arith.constant 0 : index
    %get3A_29 = vector.load %arg5[%get3A_26, %get3A_27, %get3A_28] : memref<1x1x5000xi32, #tpu.memory_space<vmem>>, vector<1x1x5000xi32>
    %get3A_30 = vector.shape_cast %get3A_29 : vector<1x1x5000xi32> to vector<5000xi32>
    %iota3A = tpu.iota {dimensions = array<i32: 0>} : vector<64x5000xi32>
    %broadcast_in_dim3A = vector.shape_cast %get3A_30 : vector<5000xi32> to vector<1x5000xi32>
    %eq3A = vector.broadcast %broadcast_in_dim3A : vector<1x5000xi32> to vector<64x5000xi32>
    %eq3A_31 = arith.cmpi eq, %eq3A, %iota3A : vector<64x5000xi32>
    %convert_element_type3A = arith.extui %eq3A_31 : vector<64x5000xi1> to vector<64x5000xi32>
    %convert_element_type3A_32 = arith.sitofp %convert_element_type3A : vector<64x5000xi32> to vector<64x5000xf32>
    %dot_general3A_33 = arith.constant dense<0.000000e+00> : vector<64x16xf32>
    %dot_general3A_34 = tpu.matmul %convert_element_type3A_32, %add3A_17, %dot_general3A_33 {dimension_numbers = #tpu.dot_dimension_numbers<[1], [0], [0], [1], [0, 0, 1, 1], [], []>, transpose_lhs_hint = false} : vector<64x5000xf32>, vector<5000x16xf32>, vector<64x16xf32> -> vector<64x16xf32>
    %eq3A_35 = arith.constant 0 : i32
    %eq3A_36 = arith.cmpi eq, %arg0, %eq3A_35 : i32
    %convert_element_type3A_37 = arith.extui %eq3A_36 : i1 to i32
    %cond3A = arith.constant 0 : i32
    %cond3A_38 = arith.cmpi ne, %convert_element_type3A_37, %cond3A : i32
    scf.if %cond3A_38 {
      %swap3A_43 = arith.constant 0 : index
      %swap3A_44 = arith.constant 0 : index
      %swap3A_45 = vector.load %arg7[%swap3A_43, %swap3A_44] : memref<64x16xf32, #tpu.memory_space<vmem>>, vector<64x16xf32>
      tpu.vector_store %arg7[%swap3A_43, %swap3A_44], %dot_general3A_34 {strides = array<i32>} : memref<64x16xf32, #tpu.memory_space<vmem>>, vector<64x16xf32>,
    } else {
    }
    %gt3A = arith.constant 0 : i32
    %gt3A_39 = arith.cmpi sgt, %arg0, %gt3A : i32
    %convert_element_type3A_40 = arith.extui %gt3A_39 : i1 to i32
    %cond3A_41 = arith.constant 0 : i32
    %cond3A_42 = arith.cmpi ne, %convert_element_type3A_40, %cond3A_41 : i32
    scf.if %cond3A_42 {
      %get3A_43 = arith.constant 0 : index
      %get3A_44 = arith.constant 0 : index
      %get3A_45 = vector.load %arg7[%get3A_43, %get3A_44] : memref<64x16xf32, #tpu.memory_space<vmem>>, vector<64x16xf32>
      %add3A_46 = arith.addf %get3A_45, %dot_general3A_34 : vector<64x16xf32>
      %swap3A_47 = arith.constant 0 : index
      %swap3A_48 = arith.constant 0 : index
      %swap3A_49 = vector.load %arg7[%swap3A_47, %swap3A_48] : memref<64x16xf32, #tpu.memory_space<vmem>>, vector<64x16xf32>
      tpu.vector_store %arg7[%swap3A_47, %swap3A_48], %add3A_46 {strides = array<i32>} : memref<64x16xf32, #tpu.memory_space<vmem>>, vector<64x16xf32>,
    } else {
    }
    return
  }
  func.func @transform_0(%arg0: i32) -> (i32, i32) {
    %c0_i32 = arith.constant 0 : i32
    %c0_i32_0 = arith.constant 0 : i32
    return %arg0, %c0_i32 : i32, i32
  }
  func.func @transform_1(%arg0: i32) -> (i32, i32, i32) {
    %c0_i32 = arith.constant 0 : i32
    %c0_i32_0 = arith.constant 0 : i32
    %c0_i32_1 = arith.constant 0 : i32
    return %c0_i32, %arg0, %c0_i32_0 : i32, i32, i32
  }
  func.func @transform_2(%arg0: i32) -> (i32, i32) {
    %c0_i32 = arith.constant 0 : i32
    %c0_i32_0 = arith.constant 0 : i32
    %c0_i32_1 = arith.constant 0 : i32
    return %c0_i32, %c0_i32_0 : i32, i32
  }
  func.func @transform_3(%arg0: i32) -> (i32, i32) {
    %c0_i32 = arith.constant 0 : i32
    %c0_i32_0 = arith.constant 0 : i32
    %c0_i32_1 = arith.constant 0 : i32
    return %c0_i32, %c0_i32_0 : i32, i32
  }
  func.func @transform_4(%arg0: i32) -> (i32, i32, i32) {
    %c0_i32 = arith.constant 0 : i32
    %c0_i32_0 = arith.constant 0 : i32
    %c0_i32_1 = arith.constant 0 : i32
    return %arg0, %c0_i32, %c0_i32_0 : i32, i32, i32
  }
  func.func @transform_5(%arg0: i32) -> (i32, i32) {
    %c0_i32 = arith.constant 0 : i32
    %c0_i32_0 = arith.constant 0 : i32
    return %arg0, %c0_i32 : i32, i32
  }
  func.func @transform_6(%arg0: i32) -> (i32, i32) {
    %c0_i32 = arith.constant 0 : i32
    %c0_i32_0 = arith.constant 0 : i32
    %c0_i32_1 = arith.constant 0 : i32
    return %c0_i32, %c0_i32_0 : i32, i32
  }
}

module attributes {stable_mosaic.version = 14 : i64} {
  func.func @_k5_body(%arg0: i32, %arg1: memref<5000x16xf32, #tpu.memory_space<vmem>>, %arg2: memref<2x5000x16xf32, #tpu.memory_space<vmem>>, %arg3: memref<1x16xf32, #tpu.memory_space<vmem>>, %arg4: memref<1x1x5000xi32, #tpu.memory_space<vmem>>, %arg5: memref<64x16xf32, #tpu.memory_space<vmem>>, %arg6: memref<64x32xf32, #tpu.memory_space<vmem>>, %arg7: memref<64x16xf32, #tpu.memory_space<vmem>>) attributes {dimension_semantics = [#tpu.dimension_semantics<arbitrary>], iteration_bounds = array<i64: 2>, scalar_prefetch = 0 : i64, scratch_operands = 1 : i64, tpu.core_type = #tpu.core_type<tc>, window_params = [{transform_indices = @transform_0, window_bounds = array<i64: 5000, 16>}, {transform_indices = @transform_1, window_bounds = array<i64: 2, 5000, 16>}, {pipeline_mode = #tpu.pipeline_mode<synchronous>, transform_indices = @transform_2, window_bounds = array<i64: 1, 16>}, {transform_indices = @transform_3, window_bounds = array<i64: 1, 1, 5000>}, {pipeline_mode = #tpu.pipeline_mode<synchronous>, transform_indices = @transform_4, window_bounds = array<i64: 64, 16>}, {pipeline_mode = #tpu.pipeline_mode<synchronous>, transform_indices = @transform_5, window_bounds = array<i64: 64, 32>}]} {
    %get3A = arith.constant 0 : index
    %get3A_0 = arith.constant 0 : index
    %get3A_1 = vector.load %arg1[%get3A, %get3A_0] : memref<5000x16xf32, #tpu.memory_space<vmem>>, vector<5000x16xf32>
    %get3A_2 = arith.constant 0 : index
    %get3A_3 = arith.constant 0 : index
    %get3A_4 = arith.constant 0 : index
    %get3A_5 = vector.load %arg2[%get3A_2, %get3A_3, %get3A_4] : memref<2x5000x16xf32, #tpu.memory_space<vmem>>, vector<1x5000x16xf32>
    %get3A_6 = vector.shape_cast %get3A_5 : vector<1x5000x16xf32> to vector<5000x16xf32>
    %add3A = arith.addf %get3A_1, %get3A_6 : vector<5000x16xf32>
    %get3A_7 = arith.constant 1 : index
    %get3A_8 = arith.constant 0 : index
    %get3A_9 = arith.constant 0 : index
    %get3A_10 = vector.load %arg2[%get3A_7, %get3A_8, %get3A_9] : memref<2x5000x16xf32, #tpu.memory_space<vmem>>, vector<1x5000x16xf32>
    %get3A_11 = vector.shape_cast %get3A_10 : vector<1x5000x16xf32> to vector<5000x16xf32>
    %add3A_12 = arith.addf %add3A, %get3A_11 : vector<5000x16xf32>
    %get3A_13 = arith.constant 0 : index
    %get3A_14 = arith.constant 0 : index
    %get3A_15 = vector.load %arg3[%get3A_13, %get3A_14] : memref<1x16xf32, #tpu.memory_space<vmem>>, vector<1x16xf32>
    %add3A_16 = vector.broadcast %get3A_15 : vector<1x16xf32> to vector<5000x16xf32>
    %add3A_17 = arith.addf %add3A_12, %add3A_16 : vector<5000x16xf32>
    %get3A_18 = arith.constant 0 : index
    %get3A_19 = arith.constant 0 : index
    %get3A_20 = arith.constant 0 : index
    %get3A_21 = vector.load %arg4[%get3A_18, %get3A_19, %get3A_20] : memref<1x1x5000xi32, #tpu.memory_space<vmem>>, vector<1x1x5000xi32>
    %get3A_22 = vector.shape_cast %get3A_21 : vector<1x1x5000xi32> to vector<5000xi32>
    %iota3A = tpu.iota {dimensions = array<i32: 0>} : vector<64x5000xi32>
    %broadcast_in_dim3A = vector.shape_cast %get3A_22 : vector<5000xi32> to vector<1x5000xi32>
    %eq3A = vector.broadcast %broadcast_in_dim3A : vector<1x5000xi32> to vector<64x5000xi32>
    %eq3A_23 = arith.cmpi eq, %eq3A, %iota3A : vector<64x5000xi32>
    %convert_element_type3A = arith.extui %eq3A_23 : vector<64x5000xi1> to vector<64x5000xi32>
    %convert_element_type3A_24 = arith.sitofp %convert_element_type3A : vector<64x5000xi32> to vector<64x5000xf32>
    %dot_general3A = arith.constant dense<0.000000e+00> : vector<64x16xf32>
    %dot_general3A_25 = tpu.matmul %convert_element_type3A_24, %add3A_17, %dot_general3A {dimension_numbers = #tpu.dot_dimension_numbers<[1], [0], [0], [1], [0, 0, 1, 1], [], []>, transpose_lhs_hint = false} : vector<64x5000xf32>, vector<5000x16xf32>, vector<64x16xf32> -> vector<64x16xf32>
    %eq3A_26 = arith.constant 0 : i32
    %eq3A_27 = arith.cmpi eq, %arg0, %eq3A_26 : i32
    %convert_element_type3A_28 = arith.extui %eq3A_27 : i1 to i32
    %cond3A = arith.constant 0 : i32
    %cond3A_29 = arith.cmpi ne, %convert_element_type3A_28, %cond3A : i32
    scf.if %cond3A_29 {
      %swap3A = arith.constant 0 : index
      %swap3A_39 = arith.constant 0 : index
      %swap3A_40 = vector.load %arg7[%swap3A, %swap3A_39] : memref<64x16xf32, #tpu.memory_space<vmem>>, vector<64x16xf32>
      tpu.vector_store %arg7[%swap3A, %swap3A_39], %dot_general3A_25 {strides = array<i32>} : memref<64x16xf32, #tpu.memory_space<vmem>>, vector<64x16xf32>,
    } else {
    }
    %gt3A = arith.constant 0 : i32
    %gt3A_30 = arith.cmpi sgt, %arg0, %gt3A : i32
    %convert_element_type3A_31 = arith.extui %gt3A_30 : i1 to i32
    %cond3A_32 = arith.constant 0 : i32
    %cond3A_33 = arith.cmpi ne, %convert_element_type3A_31, %cond3A_32 : i32
    scf.if %cond3A_33 {
      %get3A_39 = arith.constant 0 : index
      %get3A_40 = arith.constant 0 : index
      %get3A_41 = vector.load %arg7[%get3A_39, %get3A_40] : memref<64x16xf32, #tpu.memory_space<vmem>>, vector<64x16xf32>
      %add3A_42 = arith.addf %get3A_41, %dot_general3A_25 : vector<64x16xf32>
      %swap3A = arith.constant 0 : index
      %swap3A_43 = arith.constant 0 : index
      %swap3A_44 = vector.load %arg7[%swap3A, %swap3A_43] : memref<64x16xf32, #tpu.memory_space<vmem>>, vector<64x16xf32>
      tpu.vector_store %arg7[%swap3A, %swap3A_43], %add3A_42 {strides = array<i32>} : memref<64x16xf32, #tpu.memory_space<vmem>>, vector<64x16xf32>,
    } else {
    }
    %eq3A_34 = arith.constant 1 : i32
    %eq3A_35 = arith.cmpi eq, %arg0, %eq3A_34 : i32
    %convert_element_type3A_36 = arith.extui %eq3A_35 : i1 to i32
    %cond3A_37 = arith.constant 0 : i32
    %cond3A_38 = arith.cmpi ne, %convert_element_type3A_36, %cond3A_37 : i32
    scf.if %cond3A_38 {
      %get3A_39 = arith.constant 0 : index
      %get3A_40 = arith.constant 0 : index
      %get3A_41 = vector.load %arg5[%get3A_39, %get3A_40] : memref<64x16xf32, #tpu.memory_space<vmem>>, vector<64x16xf32>
      %get3A_42 = arith.constant 0 : index
      %get3A_43 = arith.constant 0 : index
      %get3A_44 = vector.load %arg7[%get3A_42, %get3A_43] : memref<64x16xf32, #tpu.memory_space<vmem>>, vector<64x16xf32>
      %concatenate3A = tpu.concatenate %get3A_41, %get3A_44 in 1 : vector<64x16xf32>, vector<64x16xf32> -> vector<64x32xf32>
      %reduce_max3A = arith.constant dense<0xFF800000> : vector<64xf32>
      %reduce_max3A_45 = vector.multi_reduction <maximumf>, %concatenate3A, %reduce_max3A [1] : vector<64x32xf32> to vector<64xf32>
      %broadcast_in_dim3A_46 = vector.shape_cast %reduce_max3A_45 : vector<64xf32> to vector<64x1xf32>
      %sub3A = vector.broadcast %broadcast_in_dim3A_46 : vector<64x1xf32> to vector<64x32xf32>
      %sub3A_47 = arith.subf %concatenate3A, %sub3A : vector<64x32xf32>
      %exp3A = math.exp %sub3A_47 : vector<64x32xf32>
      %reduce_sum3A = arith.constant dense<0.000000e+00> : vector<64xf32>
      %reduce_sum3A_48 = vector.multi_reduction <add>, %exp3A, %reduce_sum3A [1] : vector<64x32xf32> to vector<64xf32>
      %broadcast_in_dim3A_49 = vector.shape_cast %reduce_sum3A_48 : vector<64xf32> to vector<64x1xf32>
      %log3A = math.log %broadcast_in_dim3A_49 : vector<64x1xf32>
      %add3A_50 = arith.addf %log3A, %broadcast_in_dim3A_46 : vector<64x1xf32>
      %sub3A_51 = vector.broadcast %add3A_50 : vector<64x1xf32> to vector<64x32xf32>
      %sub3A_52 = arith.subf %concatenate3A, %sub3A_51 : vector<64x32xf32>
      %swap3A = arith.constant 0 : index
      %swap3A_53 = arith.constant 0 : index
      %swap3A_54 = vector.load %arg6[%swap3A, %swap3A_53] : memref<64x32xf32, #tpu.memory_space<vmem>>, vector<64x32xf32>
      tpu.vector_store %arg6[%swap3A, %swap3A_53], %sub3A_52 {strides = array<i32>} : memref<64x32xf32, #tpu.memory_space<vmem>>, vector<64x32xf32>,
    } else {
    }
    return
  }
  func.func @transform_0(%arg0: i32) -> (i32, i32) {
    %c0_i32 = arith.constant 0 : i32
    %c0_i32_0 = arith.constant 0 : i32
    return %arg0, %c0_i32 : i32, i32
  }
  func.func @transform_1(%arg0: i32) -> (i32, i32, i32) {
    %c0_i32 = arith.constant 0 : i32
    %c0_i32_0 = arith.constant 0 : i32
    %c0_i32_1 = arith.constant 0 : i32
    return %c0_i32, %arg0, %c0_i32_0 : i32, i32, i32
  }
  func.func @transform_2(%arg0: i32) -> (i32, i32) {
    %c0_i32 = arith.constant 0 : i32
    %c0_i32_0 = arith.constant 0 : i32
    %c0_i32_1 = arith.constant 0 : i32
    return %c0_i32, %c0_i32_0 : i32, i32
  }
  func.func @transform_3(%arg0: i32) -> (i32, i32, i32) {
    %c0_i32 = arith.constant 0 : i32
    %c0_i32_0 = arith.constant 0 : i32
    %c0_i32_1 = arith.constant 0 : i32
    return %arg0, %c0_i32, %c0_i32_0 : i32, i32, i32
  }
  func.func @transform_4(%arg0: i32) -> (i32, i32) {
    %c0_i32 = arith.constant 0 : i32
    %c0_i32_0 = arith.constant 0 : i32
    %c0_i32_1 = arith.constant 0 : i32
    return %c0_i32, %c0_i32_0 : i32, i32
  }
  func.func @transform_5(%arg0: i32) -> (i32, i32) {
    %c0_i32 = arith.constant 0 : i32
    %c0_i32_0 = arith.constant 0 : i32
    %c0_i32_1 = arith.constant 0 : i32
    return %c0_i32, %c0_i32_0 : i32, i32
  }
}

</mosaic_0001>

<sc_bundles>
// kernel: kernel.10.cloned.1.call-start
scs
__scs_entry_jumppad:
0x0: {  	(pc) =	sbr.rel $0x88, $3  }
0x1: {  	(tag) =	ssettag $0x0;
	lr =	simm.s32 $0x1  }
0x2: {  	[smem:$0x3F9A] =	sst lr;
	_ =	strace $0xD0000000  }
0x3: {  	_ = 	snop  }
0x4: {  	_ = 	snop  }
0x5: {  	_ = 	snop  }
0x6: {  	_ = 	snop  }
0x7: {  	_ = 	snop  }
__scs_overlays_trampoline_lowered:
0x8: {  	[smem:$0x3FA9] =	sst s0  }
0x9: {  	[smem:$0x3FAA] =	sst s1  }
0xa: {  	[smem:$0x3FAB] =	sst s2  }
0xb: {  	[smem:$0x3FAC] =	sst s3  }
0xc: {  	[smem:$0x3FAD] =	sst s4  }
0xd: {  	[smem:$0x3FAE] =	sst s5  }
0xe: {  	[smem:$0x3FAF] =	sst s6  }
0xf: {  	[smem:$0x3FB0] =	sst s7  }
0x10: {  	[smem:$0x3FB1] =	sst s8  }
0x11: {  	[smem:$0x3FB2] =	sst s9;
	s0 =	simm.s32 @!p0 $0x0  }
0x12: {  	s1 =	sld [smem:$0x3F98];
	s0 =	simm.s32 @p0 $0x1  }
0x13: {  	[smem:$0x3FB3] =	sst s0;
	s0 =	simm.s32 @!p1 $0x0  }
0x14: {  	s2 =	sld [smem:$0x3F97];
	s0 =	simm.s32 @p1 $0x1  }
0x15: {  	[smem:$0x3FB4] =	sst s0;
	s0 =	simm.s32 @!p2 $0x0  }
0x16: {  	s3 =	sld [smem:$0x3FDB];
	s0 =	simm.s32 @p2 $0x1  }
0x17: {  	s4 =	simm.s32 $0x1BF5;
	[smem:$0x3FB6] =	sst s0  }
0x18: {  	s0 =	sld [smem:$0x3F99];
	_ =	swait.ge [sflag:s4], $0x0  }
0x19: {  	s7 =	sld [smem:$0x3F9A]  }
0x1a: {  	s8 =	sadd.s32 $0xFFFFE003, lr  }
0x1b: {  	s9 =	sadd.s32 $0xFFFFFEF7, lr;
	s5 =	simm.s32 $0xFFFFFFFF;
	p2 =	slt.u32 s8, $0xFFFFF086  }
0x1c: {  	p1 =	slt.u32 s9, $0xF7A;
	s5 =	simm.s32 @!p2 $0x0  }
0x1d: {  	s5 =	simm.s32 @p1 $0x1;
	p0 =	seq.s32 s7, s2  }
0x1e: {  	s7 =	smul.u32 @!p0 $0xF7A, s2;
	p2 =	seq.s32 @!p0 s5, $0x0  }
0x1f: {  	s9 =	smul.u32 $0xF7A, s1;
	s8 =	simm.s32 @!p0 $0x1BF5;
	p2 =	por !p2, p0  }
0x20: {  	[sflag:s8] =	ssyncset.s32 @!p0 $0xFFFFF086;
	s6 =	sadd.s32 @!p0 s3, s7;
	s7 =	simm.s32 @!p0 $0x108  }
0x21: {  	s3 =	sadd.s32 s3, s9;
	s6 =	sadd.s32 @!p0 $0x88, s6;
	s7 =	simm.s32 @p2 $0x1082  }
0x22: {  	[simem:s7], [sflag:s8] =	dma.local @!p0 [hbm:s6], $0xF7A  }
0x23: {  	s9 =	sor.u32 $0xD0000000, s2;
	s6 =	simm.s32 $0x108;
	_ =	swait.ge @!p0 [sflag:s8], $0x0  }
0x24: {  	s3 =	sadd.s32 $0x88, s3;
	s6 =	simm.s32 @!p1 $0x1082;
	[sflag:s4] =	ssyncset.s32 $0xFFFFF086  }
0x25: {  	[simem:s6], [sflag:s4] =	dma.local [hbm:s3], $0xF7A  }
0x26: {  	[smem:$0x3F9A] =	sst s1;
	(tag) =	ssettag s2;
	_ =	strace s9  }
0x27: {  	s1 =	sld [smem:$0x3FAA]  }
0x28: {  	s2 =	sld [smem:$0x3FAB]  }
0x29: {  	s4 =	sld [smem:$0x3FAD]  }
0x2a: {  	p0 =	seq.s32 s5, $0x0;
	s5 =	sld [smem:$0x3FAE]  }
0x2b: {  	s6 =	sld [smem:$0x3FAF]  }
0x2c: {  	s7 =	sld [smem:$0x3FB0]  }
0x2d: {  	s3 =	simm.s32 $0x108;
	s8 =	sld [smem:$0x3FB1]  }
0x2e: {  	s3 =	simm.s32 @!p0 $0x1082;
	s9 =	sld [smem:$0x3FB2]  }
0x2f: {  	lr =	sadd.s32 s0, s3;
	s0 =	sld [smem:$0x3FA9]  }
0x30: {  	s3 =	sld [smem:$0x3FAC]  }
0x31: {  	[smem:$0x3FB5] =	sst s10  }
0x32: {  	s10 =	sld [smem:$0x3FB3];
	_ =	sdelay $0x3  }
0x33: {  	p0 =	seq.s32 s10, $0x1;
	s10 =	sld [smem:$0x3FB5];
	_ =	sdelay $0x3  }
0x34: {  	[smem:$0x3FB5] =	sst s10  }
0x35: {  	s10 =	sld [smem:$0x3FB4];
	_ =	sdelay $0x3  }
0x36: {  	p1 =	seq.s32 s10, $0x1;
	s10 =	sld [smem:$0x3FB5];
	_ =	sdelay $0x3  }
0x37: {  	[smem:$0x3FB5] =	sst s10  }
0x38: {  	s10 =	sld [smem:$0x3FB6]  }
0x39: {  	_ = 	snop;
	(pc) =	sbr.ind lr, $3  }
0x3a: {  	_ = 	snop  }
0x3b: {  	_ = 	snop  }
0x3c: {  	p2 =	seq.s32 s10, $0x1;
	s10 =	sld [smem:$0x3FB5]  }
0x3d: {  	_ =	shalt  }
0x3e: {  	_ =	shalt  }
0x3f: {  	_ =	shalt  }
0x40: {  	_ =	shalt  }
0x41: {  	_ =	shalt  }
0x42: {  	_ =	shalt  }
0x43: {  	_ =	shalt  }
0x44: {  	_ =	shalt  }
0x45: {  	_ =	shalt  }
0x46: {  	_ =	shalt  }
0x47: {  	_ =	shalt  }
0x48: {  	_ =	shalt  }
0x49: {  	_ =	shalt  }
0x4a: {  	_ =	shalt  }
0x4b: {  	_ =	shalt  }
0x4c: {  	_ =	shalt  }
0x4d: {  	_ =	shalt  }
0x4e: {  	_ =	shalt  }
0x4f: {  	_ =	shalt  }
0x50: {  	_ =	shalt  }
0x51: {  	_ =	shalt  }
0x52: {  	_ =	shalt  }
0x53: {  	_ =	shalt  }
0x54: {  	_ =	shalt  }
0x55: {  	_ =	shalt  }
0x56: {  	_ =	shalt  }
0x57: {  	_ =	shalt  }
0x58: {  	_ =	shalt  }
0x59: {  	_ =	shalt  }
0x5a: {  	_ =	shalt  }
0x5b: {  	_ =	shalt  }
0x5c: {  	_ =	shalt  }
0x5d: {  	_ =	shalt  }
0x5e: {  	_ =	shalt  }
0x5f: {  	_ =	shalt  }
0x60: {  	_ =	shalt  }
0x61: {  	_ =	shalt  }
0x62: {  	_ =	shalt  }
0x63: {  	_ =	shalt  }
0x64: {  	_ =	shalt  }
0x65: {  	_ =	shalt  }
0x66: {  	_ =	shalt  }
0x67: {  	_ =	shalt  }
0x68: {  	_ =	shalt  }
0x69: {  	_ =	shalt  }
0x6a: {  	_ =	shalt  }
0x6b: {  	_ =	shalt  }
0x6c: {  	_ =	shalt  }
0x6d: {  	_ =	shalt  }
0x6e: {  	_ =	shalt  }
0x6f: {  	_ =	shalt  }
0x70: {  	_ =	shalt  }
0x71: {  	_ =	shalt  }
0x72: {  	_ =	shalt  }
0x73: {  	_ =	shalt  }
0x74: {  	_ =	shalt  }
0x75: {  	_ =	shalt  }
0x76: {  	_ =	shalt  }
0x77: {  	_ =	shalt  }
0x78: {  	_ =	shalt  }
0x79: {  	_ =	shalt  }
0x7a: {  	_ =	shalt  }
0x7b: {  	_ =	shalt  }
0x7c: {  	_ =	shalt  }
0x7d: {  	_ =	shalt  }
0x7e: {  	_ =	shalt  }
0x7f: {  	_ =	shalt  }
0x80: {  	_ =	shalt  }
0x81: {  	_ =	shalt  }
0x82: {  	_ =	shalt  }
0x83: {  	_ =	shalt  }
0x84: {  	_ =	shalt  }
0x85: {  	_ =	shalt  }
0x86: {  	_ =	shalt  }
0x87: {  	_ =	shalt  }
.Lfunc_end0:
.L_simem_size_0:
called_computation.1_lowered:
.L_overlay_start_0:
0x88: {  	s2 =	sld [smem:$0x3FD9]  }
0x89: {  	s3 =	sld [smem:$0x3FFE];
	_ =	sdelay $0x1  }
0x8a: {  	s1 =	srdreg.scid  }
0x8b: {  	s0 =	sand.u32 $0x1, s1  }
0x8c: {  	s16 =	sshll.u32 s0, $0xA;
	s2 =	sadd.s32 s3, s2  }
0x8d: {  	s2 =	sadd.s32 s2, s16  }
0x8e: {  	[smem:$0x3FC1] =	sst s2  }
0x8f: {  	_ = 	snop  }
0x90: {  	(tm) =	ssettm $0x1  }
0x91: {  	s17 =	sld [smem:$0x3FFB];
	_ =	sdelay $0x3  }
0x92: {  	_ =	strace s17  }
0x93: {  	s2 =	sld [smem:$0x3FFC];
	_ =	sdelay $0x3  }
0x94: {  	_ =	strace s2  }
0x95: {  	s2 =	sld [smem:$0x3FFD];
	_ =	sdelay $0x3  }
0x96: {  	_ =	strace s2  }
0x97: {  	_ =	strace $0x8FFFFFFF  }
0x98: {  	s18 =	sld [smem:$0x3FDB];
	_ =	sdelay $0x1  }
0x99: {  	s19 =	simm.s32 $_scs_section_size  }
0x9a: {  	s4 =	simm.s32 $_size__tile_overlayer_lowered;
	s5 =	simm.s32 $_tile_overlayer_lowered  }
0x9b: {  	s22 =	simm.s32 $0x1BFF;
	s21 =	sshll.u32 s5, $0x1;
	s2 =	sadd.s32 s19, s18  }
0x9c: {  	s6 =	simm.s32 $0x0;
	s20 =	sshll.u32 s4, $0x1;
	s4 =	sadd.s32 s21, s2  }
0x9d: {  	[timem:s6], [sflag:s22] =	dma.local [hbm:s4], s20  }
0x9e: {  	_ =	swait.ge [sflag:s22], s20  }
0x9f: {  	s3 =	ssub.s32 $0x0, s20;
	[sflag:s22] =	ssyncset.done $0x0  }
0xa0: {  	[sflag:s22] =	ssyncadd.s32 s3;
	_ =	sdelay $0x1  }
0xa1: {  	s23 =	simm.s32 $0x1B8B  }
0xa2: {  	_ =	swait.ge [sflag:s23], $0x1  }
0xa3: {  	[sflag:s23] =	ssyncset.done $0x0  }
0xa4: {  	s25 =	simm.s32 $0x1B8E;
	s24 =	sld [smem:$0x3FFE];
	[sflag:s23] =	ssyncadd.s32 $0xFFFFFFFF  }
0xa5: {  	s26 =	simm.s32 $execute0_lowered;
	[smem:$0x3FD2] =	sst s25  }
0xa6: {  	s4 =	sshll.u32 s26, $0x1;
	_ =	strace $0x80000049;
	[dreg:$0x1] =	wrdreg $0xFFFFFFFF  }
0xa7: {  	s28 =	simm.s32 $_size_execute0_lowered;
	s2 =	sadd.s32 s2, s4;
	[dreg:$0x0] =	wrdreg $0x0  }
0xa8: {  	s4 =	sshll.u32 s28, $0x1;
	[dreg:$0x2] =	wrdreg s2  }
0xa9: {  	[dreg:$0x3] =	wrdreg s4  }
0xaa: {  	[dreg:$0x4] =	wrdreg $0xC0  }
0xab: {  	_ =	task [dreg:s6], $0x5FFFF  }
0xac: {  	[dreg:$0x1] =	wrdreg $0xFFFFFFFF  }
0xad: {  	[dreg:$0x0] =	wrdreg $0x60  }
0xae: {  	[dreg:$0x2] =	wrdreg s24  }
0xaf: {  	[dreg:$0x3] =	wrdreg $0x7F000  }
0xb0: {  	[dreg:$0x4] =	wrdreg $0x9  }
0xb1: {  	_ =	task.clear_ibuf [dreg:s6], $0x5FFFF;
	_ =	strace $0x90000049  }
0xb2: {  	s29 =	simm.s32 $0x9;
	_ =	strace $0x8000004B  }
0xb3: {  	_ =	swait.ge [sflag:s29], $0x1  }
0xb4: {  	[sflag:s29] =	ssyncadd.s32 $0xFFFFFFFF  }
0xb5: {  	_ =	strace $0x9000004B  }
0xb6: {  	_ =	sfence  }
0xb7: {  	s30 =	sld [smem:$0x0];
	_ =	sdelay $0x2  }
0xb8: {  	s31 =	sshll.u32 s1, $0xD;
	s1 =	sshrl.u32 s1, $0x2  }
0xb9: {  	s3 =	sand.u32 $0x4000, s31;
	s1 =	sadd.s32 s1, s30  }
0xba: {  	s0 =	sor.u32 s3, s0;
	s1 =	sshll.u32 s1, $0x11  }
0xbb: {  	s0 =	sor.u32 s1, s0  }
0xbc: {  	s0 =	sadd.s32 $0x8F2B, s0  }
0xbd: {  	[sflag:s0] =	ssyncadd.remote.s32 $0x1  }
0xbe: {  	_ =	sfence.sel $0xFFFF  }
0xbf: {  	[dreg:$0x0] =	wrdreg $0xFFFFFFFF;
	(pc) =	sbr.abs _section_cstart, $3  }
0xc0: {  	[dreg:$0x1] =	wrdreg $0xFFFFFFFF  }
0xc1: {  	_ =	task.clear_ibuf [dreg:s6], $0x2FFFF;
	_ =	strace $0x9FFFFFFF  }
0xc2: {  	(tm) =	ssettm $0x7FFFFFFF  }
0xc3: {  	_ =	shalt  }
tec
execute0_lowered:
.L_overlay_start_1:
0x0: {  	(tag) =	ssettag $0x1  }
0x1: {  	s0 =	srdreg.scid;
	s10 =	rddreg [dreg:$0x0]  }
0x2: {  	s1 =	stileid.u32;
	s2 =	rddreg [dreg:$0x1]  }
0x3: {  	s29 =	simm.s32 $0x0;
	s14 =	simm.s32 $0x5700;
	s15 =	simm.s32 $0x100  }
0x4: {  	s16 =	simm.s32 $0x5F00;
	s17 =	simm.s32 $0x180;
	s18 =	simm.s32 $0x6700  }
0x5: {  	s19 =	simm.s32 $0x1;
	s20 =	simm.s32 $0x2;
	s24 =	simm.s32 $0x0  }
0x6: {  	s5 =	sand.u32 $0x1, s0;
	[smem:$0x7FF] =	sst s29;
	s13 =	smul.u32 $0x2780, s1  }
0x7: {  	p1 =	sne.s32 s1, $0x0;
	s0 =	sshll.u32 s5, $0x4;
	_ =	strace $0x8000004A  }
0x8: {  	s8 =	smul.u32 $0x4F00, s5;
	s30 =	ssub.s32 $0x2, s5;
	s5 =	sadd.s32 $0x19E00, s10  }
0x9: {  	s6 =	sor.u32 s1, s0;
	s31 =	sshrl.u32 s30, $0x1;
	s22 =	sshrl.u32 s13, $0x3  }
0xa: {  	s23 =	sadd.s32 s13, s2;
	s13 =	simm.s32 $0x80;
	s4 =	smul.u32 $0x2780, s6  }
0xb: {  	s11 =	sadd.s32 s8, s10;
	p0 =	seq.s32 s6, $0x1F;
	s6 =	simm.s32 $0x33  }
0xc: {  	s12 =	ssub.s32 s30, s31;
	s6 =	simm.s32 @!p0 $0x4F;
	s21 =	sadd.s32 $0x1EE00, s11  }
0xd: {  	s11 =	smax.u32 s12, $0x1;
	s12 =	sshrl.u32 @!p1 s2, $0x3;
	s7 =	sshrl.u32 s4, $0x3  }
0xe: {  	s4 =	sadd.s32 $0x14E00, s10;
	s21 =	sadd.s32 s22, s21;
	s9 =	sadd.s32 s7, s10  }
0xf: {  	s22 =	sshrl.u32 s23, $0x3;
	s23 =	simm.s32 $0x3;
	s7 =	sadd.s32 $0x1400, s9  }
0x10: {  	s8 =	sadd.s32 $0xB040, s9;
	s9 =	sadd.s32 $0xAD10, s10;
	s10 =	sadd.s32 $0x14950, s10  }
.LBB2_1:
0x11: {  	s25 =	simm.s32 @p0 $0x0;
	s26 =	simm.s32 @p0 $0x3  }
0x12: {  	[tilespmem:s25], [sflag:$0x3] =	stream.linear.gather @p0 [hbm4b:s9+s25], $0x1980, $0x38;
	[tilespmem:$0xA680] =	vst v63  }
0x13: {  	_ =	swait.ge @p0 [sflag:s26], $0x1980  }
0x14: {  	[sflag:s26] =	ssyncset.done @p0 $0x0  }
0x15: {  	s28 =	simm.s32 @p0 $0x2780;
	[sflag:s26] =	ssyncadd.s32 @p0 $0xFFFFE680  }
0x16: {  	[tilespmem:s28], [sflag:$0x3] =	stream.linear.gather @p0 [hbm4b:s10+s25], $0x1980, $0x38;
	[tilespmem:$0xA680] =	vst v63  }
0x17: {  	_ =	swait.ge @p0 [sflag:s26], $0x1980  }
0x18: {  	[sflag:s26] =	ssyncset.done @p0 $0x0  }
0x19: {  	s25 =	simm.s32 @!p0 $0x0;
	[sflag:s26] =	ssyncadd.s32 @p0 $0xFFFFE680;
	s26 =	simm.s32 @!p0 $0x3  }
0x1a: {  	[tilespmem:s25], [sflag:$0x3] =	stream.linear.gather @!p0 [hbm4b:s7+s25], $0x2780, $0x38;
	[tilespmem:$0xA680] =	vst v63  }
0x1b: {  	_ =	swait.ge @!p0 [sflag:s26], $0x2780  }
0x1c: {  	[sflag:s26] =	ssyncset.done @!p0 $0x0  }
0x1d: {  	s28 =	simm.s32 @!p0 $0x2780;
	[sflag:s26] =	ssyncadd.s32 @!p0 $0xFFFFD880  }
0x1e: {  	[tilespmem:s28], [sflag:$0x3] =	stream.linear.gather @!p0 [hbm4b:s8+s25], $0x2780, $0x38;
	[tilespmem:$0xA680] =	vst v63  }
0x1f: {  	_ =	swait.ge @!p0 [sflag:s26], $0x2780  }
0x20: {  	[sflag:s26] =	ssyncset.done @!p0 $0x0  }
0x21: {  	s25 =	simm.s32 @!p1 $0x1C03;
	[sflag:s26] =	ssyncadd.s32 @!p0 $0xFFFFD880  }
0x22: {  	[spmem:s12], [sflag:s25] =	dma.local @!p1 [hbm:s5], $0x4F00  }
0x23: {  	s25 =	simm.s32 @!p1 $0x3  }
0x24: {  	_ =	swait.ge @!p1 [sflag:s25], $0x4F00  }
0x25: {  	[sflag:s25] =	ssyncset.done @!p1 $0x0  }
0x26: {  	[sflag:s25] =	ssyncadd.s32 @!p1 $0xFFFFB100  }
0x27: {  	s0 =	simm.s32 $0x0;
	s25 =	simm.s32 $0x4F00;
	[bflag:$0x0] =	sbarrier.arrive $0xFFFF  }
0x28: {  	[tilespmem:s25], [sflag:$0x1] =	stream.indirect.gather [hbm4b:s4+s13], $0x10, s0, s13, $0xb8;
	[tilespmem:$0xA680] =	vst v63  }
0x29: {  	_ = 	snop  }
0x2a: {  	[tilespmem:s14], [sflag:$0x1] =	stream.indirect.gather [hbm4b:s4+s13], $0x10, s13, s13, $0xb8;
	[tilespmem:$0xA680] =	vst v63  }
0x2b: {  	s29 =	simm.s32 $0x200;
	s30 =	simm.s32 $0x2780  }
0x2c: {  	[tilespmem:s16], [sflag:$0x1] =	stream.indirect.gather [hbm4b:s4+s13], $0x10, s15, s13, $0xb8;
	[tilespmem:$0xA680] =	vst v63  }
0x2d: {  	s31 =	simm.s32 $0x0;
	s28 =	simm.s32 $0x4;
	s26 =	simm.s32 $0x6F00  }
0x2e: {  	[tilespmem:s18], [sflag:$0x1] =	stream.indirect.gather [hbm4b:s4+s13], $0x10, s17, s13, $0xb8;
	[tilespmem:$0xA680] =	vst v63  }
.LBB2_2:
0x2f: {  	s0 =	smulhi.u32 $0xAAAAAAAB, s31;
	_ =	sdelay $0x1  }
0x30: {  	s0 =	sshrl.u32 s0, $0x2  }
0x31: {  	s0 =	smul.u32 $0xFFFF4000, s0  }
0x32: {  	_ =	swait.ge [sflag:s19], $0x800;
	s3 =	smulhi.u32 $0xAAAAAAAB, s28  }
0x33: {  	p2 =	slt.u32 s31, $0x2;
	[sflag:s19] =	ssyncset.done $0x0;
	s0 =	sshra.s32 s0, $0x2  }
0x34: {  	[sflag:s19] =	ssyncadd.s32 $0xFFFFF800;
	s3 =	sshrl.u32 s3, $0x2;
	s0 =	sadd.s32 s0, s25  }
0x35: {  	[spmem:s2] =	stream.indirect.scatter.add.f32 [tilespmem:s0], [sflag:$0x2], $0x10, s30, s13, $0xb8;
	[tilespmem:$0xA680] =	vst v63  }
0x36: {  	s0 =	smul.u32 $0xFFFF4000, s3;
	s3 =	simm.s32 @!p2 $0x2  }
0x37: {  	s31 =	sadd.s32 $0x4, s31;
	_ =	swait.ge @!p2 [sflag:s3], $0x800  }
0x38: {  	p3 =	sge.u32 s31, s6;
	s31 =	sadd.s32 $0xFFFFFFFD, s31;
	[sflag:s3] =	ssyncset.done @!p2 $0x0  }
0x39: {  	[sflag:s3] =	ssyncadd.s32 @!p2 $0xFFFFF800;
	p2 =	sne.s32 s31, s6  }
.Ltmp0:
0x3a: {  	_ = 	snop;
	(pc) =	sbr.rel @p2 .LBB2_2-.Ltmp0, $4  }
0x3b: {  	s28 =	sadd.s32 $0x1, s28;
	s0 =	sshra.s32 s0, $0x2  }
0x3c: {  	s25 =	sadd.s32 $0x800, s25;
	s0 =	sadd.s32 s0, s26;
	s3 =	simm.s32 @!p3 $0x80  }
0x3d: {  	[tilespmem:s0], [sflag:$0x1] =	stream.indirect.gather @!p3 [hbm4b:s4+s3], $0x10, s29, s3, $0xb8;
	[tilespmem:$0xA680] =	vst v63  }
0x3e: {  	s30 =	sadd.s32 $0x80, s30;
	s26 =	sadd.s32 $0x800, s26;
	s29 =	sadd.s32 $0x80, s29  }
0x3f: {  	_ =	swait.ge [sflag:s20], $0x800  }
0x40: {  	[sflag:s20] =	ssyncset.done $0x0  }
0x41: {  	[sflag:s20] =	ssyncadd.s32 $0xFFFFF800  }
0x42: {  	_ =	swait.ge [sflag:s20], $0x800  }
0x43: {  	s24 =	sadd.s32 $0x1, s24;
	[sflag:s20] =	ssyncset.done $0x0  }
0x44: {  	s0 =	sshll.u32 s1, $0x6;
	p2 =	sne.s32 s24, s11;
	[sflag:s20] =	ssyncadd.s32 $0xFFFFF800  }
.Ltmp1:
0x45: {  	s0 =	sor.u32 $0x1C03, s0;
	[bflag:$0x0] =	sbarrier.arrive $0xFFFF;
	(pc) =	sbr.rel @p2 .LBB2_1-.Ltmp1, $4  }
0x46: {  	[hbm:s21], [sflag:s0] =	dma.local [spmem:s22], $0x4F0  }
0x47: {  	_ =	swait.ge [sflag:s23], $0x4F0  }
0x48: {  	[sflag:s23] =	ssyncset.done $0x0  }
0x49: {  	[sflag:s23] =	ssyncadd.s32 $0xFFFFFB10  }
0x4a: {  	_ =	sfence.sel $0x180000  }
0x4b: {  	[bflag:$0x0] =	sbarrier.arrive $0xFFFF  }
0x4c: {  	_ =	strace $0x9000004A  }
0x4d: {  	[bflag:$0x2] =	sbarrier.arrive $0xFFFF  }
0x4e: {  	s0 =	rddreg [dreg:$0x2]  }
0x4f: {  	s0 =	sadd.s32 @!p1 $0x100000, s0  }
0x50: {  	[sflag:s0] =	ssyncadd.tile.s32 @!p1 $0x1;
	_ =	shalt  }
.Lfunc_end2:
_tile_overlayer_lowered:
.L_overlay_start_2:
0x51: {  	(tag) =	ssettag $0x2  }
0x52: {  	s0 =	rddreg [dreg:$0x0];
	s2 =	stileid.u32  }
0x53: {  	s1 =	rddreg [dreg:$0x1];
	p0 =	sne.s32 s2, $0x0  }
0x54: {  	s3 =	rddreg [dreg:$0x2];
	[bflag:$0x3] =	sbarrier.arrive $0xFFFF;
	s2 =	simm.s32 @!p0 $0x1C03  }
0x55: {  	[timem:s3], [sflag:s2] =	dma.local @!p0 [hbm:s0], s1  }
0x56: {  	s0 =	simm.s32 @!p0 $0x3  }
0x57: {  	_ =	swait.ge @!p0 [sflag:s0], s1  }
0x58: {  	s1 =	ssub.s32 @!p0 $0x0, s1;
	[sflag:s0] =	ssyncset.done @!p0 $0x0  }
0x59: {  	[sflag:s0] =	ssyncadd.s32 @!p0 s1  }
0x5a: {  	[bflag:$0x3] =	sbarrier.arrive $0xFFFF  }
0x5b: {  	_ =	shalt  }

// kernel: kernel.7.cloned.1.call-start
scs
__scs_entry_jumppad:
0x0: {  	(pc) =	sbr.rel $0x88, $3  }
0x1: {  	(tag) =	ssettag $0x0;
	lr =	simm.s32 $0x1  }
0x2: {  	[smem:$0x3F9A] =	sst lr;
	_ =	strace $0xD0000000  }
0x3: {  	_ = 	snop  }
0x4: {  	_ = 	snop  }
0x5: {  	_ = 	snop  }
0x6: {  	_ = 	snop  }
0x7: {  	_ = 	snop  }
__scs_overlays_trampoline_lowered:
0x8: {  	[smem:$0x3FA9] =	sst s0  }
0x9: {  	[smem:$0x3FAA] =	sst s1  }
0xa: {  	[smem:$0x3FAB] =	sst s2  }
0xb: {  	[smem:$0x3FAC] =	sst s3  }
0xc: {  	[smem:$0x3FAD] =	sst s4  }
0xd: {  	[smem:$0x3FAE] =	sst s5  }
0xe: {  	[smem:$0x3FAF] =	sst s6  }
0xf: {  	[smem:$0x3FB0] =	sst s7  }
0x10: {  	[smem:$0x3FB1] =	sst s8  }
0x11: {  	[smem:$0x3FB2] =	sst s9;
	s0 =	simm.s32 @!p0 $0x0  }
0x12: {  	s1 =	sld [smem:$0x3F98];
	s0 =	simm.s32 @p0 $0x1  }
0x13: {  	[smem:$0x3FB3] =	sst s0;
	s0 =	simm.s32 @!p1 $0x0  }
0x14: {  	s2 =	sld [smem:$0x3F97];
	s0 =	simm.s32 @p1 $0x1  }
0x15: {  	[smem:$0x3FB4] =	sst s0;
	s0 =	simm.s32 @!p2 $0x0  }
0x16: {  	s3 =	sld [smem:$0x3FDB];
	s0 =	simm.s32 @p2 $0x1  }
0x17: {  	s4 =	simm.s32 $0x1BF5;
	[smem:$0x3FB6] =	sst s0  }
0x18: {  	s0 =	sld [smem:$0x3F99];
	_ =	swait.ge [sflag:s4], $0x0  }
0x19: {  	s7 =	sld [smem:$0x3F9A]  }
0x1a: {  	s8 =	sadd.s32 $0xFFFFE003, lr  }
0x1b: {  	s9 =	sadd.s32 $0xFFFFFEF7, lr;
	s5 =	simm.s32 $0xFFFFFFFF;
	p2 =	slt.u32 s8, $0xFFFFF086  }
0x1c: {  	p1 =	slt.u32 s9, $0xF7A;
	s5 =	simm.s32 @!p2 $0x0  }
0x1d: {  	s5 =	simm.s32 @p1 $0x1;
	p0 =	seq.s32 s7, s2  }
0x1e: {  	s7 =	smul.u32 @!p0 $0xF7A, s2;
	p2 =	seq.s32 @!p0 s5, $0x0  }
0x1f: {  	s9 =	smul.u32 $0xF7A, s1;
	s8 =	simm.s32 @!p0 $0x1BF5;
	p2 =	por !p2, p0  }
0x20: {  	[sflag:s8] =	ssyncset.s32 @!p0 $0xFFFFF086;
	s6 =	sadd.s32 @!p0 s3, s7;
	s7 =	simm.s32 @!p0 $0x108  }
0x21: {  	s3 =	sadd.s32 s3, s9;
	s6 =	sadd.s32 @!p0 $0x88, s6;
	s7 =	simm.s32 @p2 $0x1082  }
0x22: {  	[simem:s7], [sflag:s8] =	dma.local @!p0 [hbm:s6], $0xF7A  }
0x23: {  	s9 =	sor.u32 $0xD0000000, s2;
	s6 =	simm.s32 $0x108;
	_ =	swait.ge @!p0 [sflag:s8], $0x0  }
0x24: {  	s3 =	sadd.s32 $0x88, s3;
	s6 =	simm.s32 @!p1 $0x1082;
	[sflag:s4] =	ssyncset.s32 $0xFFFFF086  }
0x25: {  	[simem:s6], [sflag:s4] =	dma.local [hbm:s3], $0xF7A  }
0x26: {  	[smem:$0x3F9A] =	sst s1;
	(tag) =	ssettag s2;
	_ =	strace s9  }
0x27: {  	s1 =	sld [smem:$0x3FAA]  }
0x28: {  	s2 =	sld [smem:$0x3FAB]  }
0x29: {  	s4 =	sld [smem:$0x3FAD]  }
0x2a: {  	p0 =	seq.s32 s5, $0x0;
	s5 =	sld [smem:$0x3FAE]  }
0x2b: {  	s6 =	sld [smem:$0x3FAF]  }
0x2c: {  	s7 =	sld [smem:$0x3FB0]  }
0x2d: {  	s3 =	simm.s32 $0x108;
	s8 =	sld [smem:$0x3FB1]  }
0x2e: {  	s3 =	simm.s32 @!p0 $0x1082;
	s9 =	sld [smem:$0x3FB2]  }
0x2f: {  	lr =	sadd.s32 s0, s3;
	s0 =	sld [smem:$0x3FA9]  }
0x30: {  	s3 =	sld [smem:$0x3FAC]  }
0x31: {  	[smem:$0x3FB5] =	sst s10  }
0x32: {  	s10 =	sld [smem:$0x3FB3];
	_ =	sdelay $0x3  }
0x33: {  	p0 =	seq.s32 s10, $0x1;
	s10 =	sld [smem:$0x3FB5];
	_ =	sdelay $0x3  }
0x34: {  	[smem:$0x3FB5] =	sst s10  }
0x35: {  	s10 =	sld [smem:$0x3FB4];
	_ =	sdelay $0x3  }
0x36: {  	p1 =	seq.s32 s10, $0x1;
	s10 =	sld [smem:$0x3FB5];
	_ =	sdelay $0x3  }
0x37: {  	[smem:$0x3FB5] =	sst s10  }
0x38: {  	s10 =	sld [smem:$0x3FB6]  }
0x39: {  	_ = 	snop;
	(pc) =	sbr.ind lr, $3  }
0x3a: {  	_ = 	snop  }
0x3b: {  	_ = 	snop  }
0x3c: {  	p2 =	seq.s32 s10, $0x1;
	s10 =	sld [smem:$0x3FB5]  }
0x3d: {  	_ =	shalt  }
0x3e: {  	_ =	shalt  }
0x3f: {  	_ =	shalt  }
0x40: {  	_ =	shalt  }
0x41: {  	_ =	shalt  }
0x42: {  	_ =	shalt  }
0x43: {  	_ =	shalt  }
0x44: {  	_ =	shalt  }
0x45: {  	_ =	shalt  }
0x46: {  	_ =	shalt  }
0x47: {  	_ =	shalt  }
0x48: {  	_ =	shalt  }
0x49: {  	_ =	shalt  }
0x4a: {  	_ =	shalt  }
0x4b: {  	_ =	shalt  }
0x4c: {  	_ =	shalt  }
0x4d: {  	_ =	shalt  }
0x4e: {  	_ =	shalt  }
0x4f: {  	_ =	shalt  }
0x50: {  	_ =	shalt  }
0x51: {  	_ =	shalt  }
0x52: {  	_ =	shalt  }
0x53: {  	_ =	shalt  }
0x54: {  	_ =	shalt  }
0x55: {  	_ =	shalt  }
0x56: {  	_ =	shalt  }
0x57: {  	_ =	shalt  }
0x58: {  	_ =	shalt  }
0x59: {  	_ =	shalt  }
0x5a: {  	_ =	shalt  }
0x5b: {  	_ =	shalt  }
0x5c: {  	_ =	shalt  }
0x5d: {  	_ =	shalt  }
0x5e: {  	_ =	shalt  }
0x5f: {  	_ =	shalt  }
0x60: {  	_ =	shalt  }
0x61: {  	_ =	shalt  }
0x62: {  	_ =	shalt  }
0x63: {  	_ =	shalt  }
0x64: {  	_ =	shalt  }
0x65: {  	_ =	shalt  }
0x66: {  	_ =	shalt  }
0x67: {  	_ =	shalt  }
0x68: {  	_ =	shalt  }
0x69: {  	_ =	shalt  }
0x6a: {  	_ =	shalt  }
0x6b: {  	_ =	shalt  }
0x6c: {  	_ =	shalt  }
0x6d: {  	_ =	shalt  }
0x6e: {  	_ =	shalt  }
0x6f: {  	_ =	shalt  }
0x70: {  	_ =	shalt  }
0x71: {  	_ =	shalt  }
0x72: {  	_ =	shalt  }
0x73: {  	_ =	shalt  }
0x74: {  	_ =	shalt  }
0x75: {  	_ =	shalt  }
0x76: {  	_ =	shalt  }
0x77: {  	_ =	shalt  }
0x78: {  	_ =	shalt  }
0x79: {  	_ =	shalt  }
0x7a: {  	_ =	shalt  }
0x7b: {  	_ =	shalt  }
0x7c: {  	_ =	shalt  }
0x7d: {  	_ =	shalt  }
0x7e: {  	_ =	shalt  }
0x7f: {  	_ =	shalt  }
0x80: {  	_ =	shalt  }
0x81: {  	_ =	shalt  }
0x82: {  	_ =	shalt  }
0x83: {  	_ =	shalt  }
0x84: {  	_ =	shalt  }
0x85: {  	_ =	shalt  }
0x86: {  	_ =	shalt  }
0x87: {  	_ =	shalt  }
.Lfunc_end0:
.L_simem_size_0:
called_computation_lowered:
.L_overlay_start_0:
0x88: {  	s2 =	sld [smem:$0x3FD9]  }
0x89: {  	s3 =	sld [smem:$0x3FFE];
	_ =	sdelay $0x1  }
0x8a: {  	s1 =	srdreg.scid  }
0x8b: {  	s0 =	sand.u32 $0x1, s1  }
0x8c: {  	s16 =	sshll.u32 s0, $0xA;
	s2 =	sadd.s32 s3, s2  }
0x8d: {  	s2 =	sadd.s32 s2, s16  }
0x8e: {  	[smem:$0x3FC1] =	sst s2  }
0x8f: {  	_ = 	snop  }
0x90: {  	(tm) =	ssettm $0x1  }
0x91: {  	s17 =	sld [smem:$0x3FFB];
	_ =	sdelay $0x3  }
0x92: {  	_ =	strace s17  }
0x93: {  	s2 =	sld [smem:$0x3FFC];
	_ =	sdelay $0x3  }
0x94: {  	_ =	strace s2  }
0x95: {  	s2 =	sld [smem:$0x3FFD];
	_ =	sdelay $0x3  }
0x96: {  	_ =	strace s2  }
0x97: {  	_ =	strace $0x8FFFFFFF  }
0x98: {  	s18 =	sld [smem:$0x3FDB];
	_ =	sdelay $0x1  }
0x99: {  	s19 =	simm.s32 $_scs_section_size  }
0x9a: {  	s4 =	simm.s32 $_size__tile_overlayer_lowered;
	s5 =	simm.s32 $_tile_overlayer_lowered  }
0x9b: {  	s22 =	simm.s32 $0x1BFF;
	s21 =	sshll.u32 s5, $0x1;
	s2 =	sadd.s32 s19, s18  }
0x9c: {  	s6 =	simm.s32 $0x0;
	s20 =	sshll.u32 s4, $0x1;
	s4 =	sadd.s32 s21, s2  }
0x9d: {  	[timem:s6], [sflag:s22] =	dma.local [hbm:s4], s20  }
0x9e: {  	_ =	swait.ge [sflag:s22], s20  }
0x9f: {  	s3 =	ssub.s32 $0x0, s20;
	[sflag:s22] =	ssyncset.done $0x0  }
0xa0: {  	[sflag:s22] =	ssyncadd.s32 s3;
	_ =	sdelay $0x1  }
0xa1: {  	s23 =	simm.s32 $0x1B8B  }
0xa2: {  	_ =	swait.ge [sflag:s23], $0x1  }
0xa3: {  	[sflag:s23] =	ssyncset.done $0x0  }
0xa4: {  	s25 =	simm.s32 $0x1B8E;
	s24 =	sld [smem:$0x3FFE];
	[sflag:s23] =	ssyncadd.s32 $0xFFFFFFFF  }
0xa5: {  	s26 =	simm.s32 $execute0_lowered;
	[smem:$0x3FD2] =	sst s25  }
0xa6: {  	s4 =	sshll.u32 s26, $0x1;
	_ =	strace $0x80000046;
	[dreg:$0x1] =	wrdreg $0xFFFFFFFF  }
0xa7: {  	s28 =	simm.s32 $_size_execute0_lowered;
	s2 =	sadd.s32 s2, s4;
	[dreg:$0x0] =	wrdreg $0x0  }
0xa8: {  	s4 =	sshll.u32 s28, $0x1;
	[dreg:$0x2] =	wrdreg s2  }
0xa9: {  	[dreg:$0x3] =	wrdreg s4  }
0xaa: {  	[dreg:$0x4] =	wrdreg $0xC0  }
0xab: {  	_ =	task [dreg:s6], $0x5FFFF  }
0xac: {  	[dreg:$0x1] =	wrdreg $0xFFFFFFFF  }
0xad: {  	[dreg:$0x0] =	wrdreg $0x60  }
0xae: {  	[dreg:$0x2] =	wrdreg s24  }
0xaf: {  	[dreg:$0x3] =	wrdreg $0x7F000  }
0xb0: {  	[dreg:$0x4] =	wrdreg $0x9  }
0xb1: {  	_ =	task.clear_ibuf [dreg:s6], $0x5FFFF;
	_ =	strace $0x90000046  }
0xb2: {  	s29 =	simm.s32 $0x9;
	_ =	strace $0x80000048  }
0xb3: {  	_ =	swait.ge [sflag:s29], $0x1  }
0xb4: {  	[sflag:s29] =	ssyncadd.s32 $0xFFFFFFFF  }
0xb5: {  	_ =	strace $0x90000048  }
0xb6: {  	_ =	sfence  }
0xb7: {  	s30 =	sld [smem:$0x0];
	_ =	sdelay $0x2  }
0xb8: {  	s31 =	sshll.u32 s1, $0xD;
	s1 =	sshrl.u32 s1, $0x2  }
0xb9: {  	s3 =	sand.u32 $0x4000, s31;
	s1 =	sadd.s32 s1, s30  }
0xba: {  	s0 =	sor.u32 s3, s0;
	s1 =	sshll.u32 s1, $0x11  }
0xbb: {  	s0 =	sor.u32 s1, s0  }
0xbc: {  	s0 =	sadd.s32 $0x8F2B, s0  }
0xbd: {  	[sflag:s0] =	ssyncadd.remote.s32 $0x1  }
0xbe: {  	_ =	sfence.sel $0xFFFF  }
0xbf: {  	[dreg:$0x0] =	wrdreg $0xFFFFFFFF;
	(pc) =	sbr.abs _section_cstart, $3  }
0xc0: {  	[dreg:$0x1] =	wrdreg $0xFFFFFFFF  }
0xc1: {  	_ =	task.clear_ibuf [dreg:s6], $0x2FFFF;
	_ =	strace $0x9FFFFFFF  }
0xc2: {  	(tm) =	ssettm $0x7FFFFFFF  }
0xc3: {  	_ =	shalt  }
tec
execute0_lowered:
.L_overlay_start_1:
0x0: {  	(tag) =	ssettag $0x1  }
0x1: {  	s0 =	srdreg.scid;
	s10 =	rddreg [dreg:$0x0]  }
0x2: {  	s1 =	stileid.u32;
	s2 =	rddreg [dreg:$0x1]  }
0x3: {  	s29 =	simm.s32 $0x0;
	s14 =	simm.s32 $0x5700;
	s15 =	simm.s32 $0x100  }
0x4: {  	s16 =	simm.s32 $0x5F00;
	s17 =	simm.s32 $0x180;
	s18 =	simm.s32 $0x6700  }
0x5: {  	s19 =	simm.s32 $0x1;
	s20 =	simm.s32 $0x2;
	s24 =	simm.s32 $0x0  }
0x6: {  	s5 =	sand.u32 $0x1, s0;
	[smem:$0x7FF] =	sst s29;
	s13 =	smul.u32 $0x2780, s1  }
0x7: {  	p1 =	sne.s32 s1, $0x0;
	s0 =	sshll.u32 s5, $0x4;
	_ =	strace $0x80000047  }
0x8: {  	s8 =	smul.u32 $0x4F00, s5;
	s30 =	ssub.s32 $0x2, s5;
	s5 =	sadd.s32 $0x19E00, s10  }
0x9: {  	s6 =	sor.u32 s1, s0;
	s31 =	sshrl.u32 s30, $0x1;
	s22 =	sshrl.u32 s13, $0x3  }
0xa: {  	s23 =	sadd.s32 s13, s2;
	s13 =	simm.s32 $0x80;
	s4 =	smul.u32 $0x2780, s6  }
0xb: {  	s11 =	sadd.s32 s8, s10;
	p0 =	seq.s32 s6, $0x1F;
	s6 =	simm.s32 $0x33  }
0xc: {  	s12 =	ssub.s32 s30, s31;
	s6 =	simm.s32 @!p0 $0x4F;
	s21 =	sadd.s32 $0x1EE00, s11  }
0xd: {  	s11 =	smax.u32 s12, $0x1;
	s12 =	sshrl.u32 @!p1 s2, $0x3;
	s7 =	sshrl.u32 s4, $0x3  }
0xe: {  	s4 =	sadd.s32 $0x14E00, s10;
	s21 =	sadd.s32 s22, s21;
	s9 =	sadd.s32 s7, s10  }
0xf: {  	s22 =	sshrl.u32 s23, $0x3;
	s23 =	simm.s32 $0x3;
	s7 =	sadd.s32 $0x1400, s9  }
0x10: {  	s8 =	sadd.s32 $0xB040, s9;
	s9 =	sadd.s32 $0xAD10, s10;
	s10 =	sadd.s32 $0x14950, s10  }
.LBB2_1:
0x11: {  	s25 =	simm.s32 @p0 $0x0;
	s26 =	simm.s32 @p0 $0x3  }
0x12: {  	[tilespmem:s25], [sflag:$0x3] =	stream.linear.gather @p0 [hbm4b:s9+s25], $0x1980, $0x38;
	[tilespmem:$0xA680] =	vst v63  }
0x13: {  	_ =	swait.ge @p0 [sflag:s26], $0x1980  }
0x14: {  	[sflag:s26] =	ssyncset.done @p0 $0x0  }
0x15: {  	s28 =	simm.s32 @p0 $0x2780;
	[sflag:s26] =	ssyncadd.s32 @p0 $0xFFFFE680  }
0x16: {  	[tilespmem:s28], [sflag:$0x3] =	stream.linear.gather @p0 [hbm4b:s10+s25], $0x1980, $0x38;
	[tilespmem:$0xA680] =	vst v63  }
0x17: {  	_ =	swait.ge @p0 [sflag:s26], $0x1980  }
0x18: {  	[sflag:s26] =	ssyncset.done @p0 $0x0  }
0x19: {  	s25 =	simm.s32 @!p0 $0x0;
	[sflag:s26] =	ssyncadd.s32 @p0 $0xFFFFE680;
	s26 =	simm.s32 @!p0 $0x3  }
0x1a: {  	[tilespmem:s25], [sflag:$0x3] =	stream.linear.gather @!p0 [hbm4b:s7+s25], $0x2780, $0x38;
	[tilespmem:$0xA680] =	vst v63  }
0x1b: {  	_ =	swait.ge @!p0 [sflag:s26], $0x2780  }
0x1c: {  	[sflag:s26] =	ssyncset.done @!p0 $0x0  }
0x1d: {  	s28 =	simm.s32 @!p0 $0x2780;
	[sflag:s26] =	ssyncadd.s32 @!p0 $0xFFFFD880  }
0x1e: {  	[tilespmem:s28], [sflag:$0x3] =	stream.linear.gather @!p0 [hbm4b:s8+s25], $0x2780, $0x38;
	[tilespmem:$0xA680] =	vst v63  }
0x1f: {  	_ =	swait.ge @!p0 [sflag:s26], $0x2780  }
0x20: {  	[sflag:s26] =	ssyncset.done @!p0 $0x0  }
0x21: {  	s25 =	simm.s32 @!p1 $0x1C03;
	[sflag:s26] =	ssyncadd.s32 @!p0 $0xFFFFD880  }
0x22: {  	[spmem:s12], [sflag:s25] =	dma.local @!p1 [hbm:s5], $0x4F00  }
0x23: {  	s25 =	simm.s32 @!p1 $0x3  }
0x24: {  	_ =	swait.ge @!p1 [sflag:s25], $0x4F00  }
0x25: {  	[sflag:s25] =	ssyncset.done @!p1 $0x0  }
0x26: {  	[sflag:s25] =	ssyncadd.s32 @!p1 $0xFFFFB100  }
0x27: {  	s0 =	simm.s32 $0x0;
	s25 =	simm.s32 $0x4F00;
	[bflag:$0x0] =	sbarrier.arrive $0xFFFF  }
0x28: {  	[tilespmem:s25], [sflag:$0x1] =	stream.indirect.gather [hbm4b:s4+s13], $0x10, s0, s13, $0xb8;
	[tilespmem:$0xA680] =	vst v63  }
0x29: {  	_ = 	snop  }
0x2a: {  	[tilespmem:s14], [sflag:$0x1] =	stream.indirect.gather [hbm4b:s4+s13], $0x10, s13, s13, $0xb8;
	[tilespmem:$0xA680] =	vst v63  }
0x2b: {  	s29 =	simm.s32 $0x200;
	s30 =	simm.s32 $0x2780  }
0x2c: {  	[tilespmem:s16], [sflag:$0x1] =	stream.indirect.gather [hbm4b:s4+s13], $0x10, s15, s13, $0xb8;
	[tilespmem:$0xA680] =	vst v63  }
0x2d: {  	s31 =	simm.s32 $0x0;
	s28 =	simm.s32 $0x4;
	s26 =	simm.s32 $0x6F00  }
0x2e: {  	[tilespmem:s18], [sflag:$0x1] =	stream.indirect.gather [hbm4b:s4+s13], $0x10, s17, s13, $0xb8;
	[tilespmem:$0xA680] =	vst v63  }
.LBB2_2:
0x2f: {  	s0 =	smulhi.u32 $0xAAAAAAAB, s31;
	_ =	sdelay $0x1  }
0x30: {  	s0 =	sshrl.u32 s0, $0x2  }
0x31: {  	s0 =	smul.u32 $0xFFFF4000, s0  }
0x32: {  	_ =	swait.ge [sflag:s19], $0x800;
	s3 =	smulhi.u32 $0xAAAAAAAB, s28  }
0x33: {  	p2 =	slt.u32 s31, $0x2;
	[sflag:s19] =	ssyncset.done $0x0;
	s0 =	sshra.s32 s0, $0x2  }
0x34: {  	[sflag:s19] =	ssyncadd.s32 $0xFFFFF800;
	s3 =	sshrl.u32 s3, $0x2;
	s0 =	sadd.s32 s0, s25  }
0x35: {  	[spmem:s2] =	stream.indirect.scatter.add.f32 [tilespmem:s0], [sflag:$0x2], $0x10, s30, s13, $0xb8;
	[tilespmem:$0xA680] =	vst v63  }
0x36: {  	s0 =	smul.u32 $0xFFFF4000, s3;
	s3 =	simm.s32 @!p2 $0x2  }
0x37: {  	s31 =	sadd.s32 $0x4, s31;
	_ =	swait.ge @!p2 [sflag:s3], $0x800  }
0x38: {  	p3 =	sge.u32 s31, s6;
	s31 =	sadd.s32 $0xFFFFFFFD, s31;
	[sflag:s3] =	ssyncset.done @!p2 $0x0  }
0x39: {  	[sflag:s3] =	ssyncadd.s32 @!p2 $0xFFFFF800;
	p2 =	sne.s32 s31, s6  }
.Ltmp0:
0x3a: {  	_ = 	snop;
	(pc) =	sbr.rel @p2 .LBB2_2-.Ltmp0, $4  }
0x3b: {  	s28 =	sadd.s32 $0x1, s28;
	s0 =	sshra.s32 s0, $0x2  }
0x3c: {  	s25 =	sadd.s32 $0x800, s25;
	s0 =	sadd.s32 s0, s26;
	s3 =	simm.s32 @!p3 $0x80  }
0x3d: {  	[tilespmem:s0], [sflag:$0x1] =	stream.indirect.gather @!p3 [hbm4b:s4+s3], $0x10, s29, s3, $0xb8;
	[tilespmem:$0xA680] =	vst v63  }
0x3e: {  	s30 =	sadd.s32 $0x80, s30;
	s26 =	sadd.s32 $0x800, s26;
	s29 =	sadd.s32 $0x80, s29  }
0x3f: {  	_ =	swait.ge [sflag:s20], $0x800  }
0x40: {  	[sflag:s20] =	ssyncset.done $0x0  }
0x41: {  	[sflag:s20] =	ssyncadd.s32 $0xFFFFF800  }
0x42: {  	_ =	swait.ge [sflag:s20], $0x800  }
0x43: {  	s24 =	sadd.s32 $0x1, s24;
	[sflag:s20] =	ssyncset.done $0x0  }
0x44: {  	s0 =	sshll.u32 s1, $0x6;
	p2 =	sne.s32 s24, s11;
	[sflag:s20] =	ssyncadd.s32 $0xFFFFF800  }
.Ltmp1:
0x45: {  	s0 =	sor.u32 $0x1C03, s0;
	[bflag:$0x0] =	sbarrier.arrive $0xFFFF;
	(pc) =	sbr.rel @p2 .LBB2_1-.Ltmp1, $4  }
0x46: {  	[hbm:s21], [sflag:s0] =	dma.local [spmem:s22], $0x4F0  }
0x47: {  	_ =	swait.ge [sflag:s23], $0x4F0  }
0x48: {  	[sflag:s23] =	ssyncset.done $0x0  }
0x49: {  	[sflag:s23] =	ssyncadd.s32 $0xFFFFFB10  }
0x4a: {  	_ =	sfence.sel $0x180000  }
0x4b: {  	[bflag:$0x0] =	sbarrier.arrive $0xFFFF  }
0x4c: {  	_ =	strace $0x90000047  }
0x4d: {  	[bflag:$0x2] =	sbarrier.arrive $0xFFFF  }
0x4e: {  	s0 =	rddreg [dreg:$0x2]  }
0x4f: {  	s0 =	sadd.s32 @!p1 $0x100000, s0  }
0x50: {  	[sflag:s0] =	ssyncadd.tile.s32 @!p1 $0x1;
	_ =	shalt  }
.Lfunc_end2:
_tile_overlayer_lowered:
.L_overlay_start_2:
0x51: {  	(tag) =	ssettag $0x2  }
0x52: {  	s0 =	rddreg [dreg:$0x0];
	s2 =	stileid.u32  }
0x53: {  	s1 =	rddreg [dreg:$0x1];
	p0 =	sne.s32 s2, $0x0  }
0x54: {  	s3 =	rddreg [dreg:$0x2];
	[bflag:$0x3] =	sbarrier.arrive $0xFFFF;
	s2 =	simm.s32 @!p0 $0x1C03  }
0x55: {  	[timem:s3], [sflag:s2] =	dma.local @!p0 [hbm:s0], s1  }
0x56: {  	s0 =	simm.s32 @!p0 $0x3  }
0x57: {  	_ =	swait.ge @!p0 [sflag:s0], s1  }
0x58: {  	s1 =	ssub.s32 @!p0 $0x0, s1;
	[sflag:s0] =	ssyncset.done @!p0 $0x0  }
0x59: {  	[sflag:s0] =	ssyncadd.s32 @!p0 s1  }
0x5a: {  	[bflag:$0x3] =	sbarrier.arrive $0xFFFF  }
0x5b: {  	_ =	shalt  }

</sc_bundles>
